<compile_context>
chip_gen: v7x
topology: tpu7x:2x2x1
jax: 0.10.2.dev20260603
libtpu: 0.0.44.dev20260713+nightly
codegen_flags: <defaults>
</compile_context>

<pallas_src>
import jax
import jax.numpy as jnp
from jax import lax
from jax.experimental import pallas as pl
from jax.experimental.pallas import tpu as pltpu
from jax.experimental.pallas import tpu_sc as plsc

VOCAB = 1_000_000
DIM = 64
BATCH = 16384
NUM_CORES = 2
NUM_SUBCORES = 16
NUM_WORKERS = NUM_CORES * NUM_SUBCORES
BPW = BATCH // NUM_WORKERS
NBUF = 11


NTILES = VOCAB // 128
TAIL_TC = NTILES - 1


def _emb_body(tT_hbm, ext_hbm, idx_hbm, outT_hbm, idx_v, outbufT,
              slabpool, sems):
    wid = lax.axis_index("s") * NUM_CORES + lax.axis_index("c")
    base = wid * BPW
    pltpu.sync_copy(idx_hbm.at[pl.ds(base, BPW)], idx_v.at[pl.ds(0, BPW)])
    iota = lax.iota(jnp.int32, 16)

    def idx_at(e):
        return idx_v[pl.ds(e, 16)][0]

    def fetch(iv, k):
        tc = iv >> 7

        @pl.when(tc < TAIL_TC)
        def _():
            pltpu.async_copy(
                tT_hbm.at[:, pl.ds(pl.multiple_of(tc * 128, 128), 128)],
                slabpool.at[k],
                sems.at[k],
            )

        @pl.when(tc >= TAIL_TC)
        def _():
            pltpu.async_copy(
                ext_hbm.at[:, pl.ds(
                    pl.multiple_of((tc - TAIL_TC) * 128, 128), 128)],
                slabpool.at[k],
                sems.at[k],
            )

    def wait_slot(k):
        pltpu.make_async_copy(tT_hbm.at[:, pl.ds(0, 128)], slabpool.at[k],
                              sems.at[k]).wait()

    def extract(iv, e, k):
        lane = jnp.broadcast_to(iv & 127, (16,))
        for kk in range(DIM // 16):
            x = plsc.load_gather(slabpool.at[k], [iota + 16 * kk, lane])
            plsc.store_scatter(outbufT, [iota + 16 * kk,
                                         jnp.broadcast_to(e, (16,))], x)

    for k in range(NBUF):
        fetch(idx_at(k), k)

    def step(e, carry):
        k = lax.rem(e, NBUF)
        wait_slot(k)
        extract(idx_at(e), e, k)

        @pl.when(e < BPW - NBUF)
        def _():
            fetch(idx_at(e + NBUF), k)
        return carry

    lax.fori_loop(0, BPW, step, 0)
    pltpu.sync_copy(outbufT, outT_hbm.at[:, pl.ds(base, BPW)])


def kernel(user_id, table):
    idx = user_id.astype(jnp.int32)
    tT = table.T
    ext = jnp.pad(table[TAIL_TC * 128:].T, ((0, 0), (0, 64)))
    mesh = plsc.VectorSubcoreMesh(core_axis_name="c", subcore_axis_name="s")
    run = pl.kernel(
        _emb_body,
        mesh=mesh,
        out_type=jax.ShapeDtypeStruct((DIM, BATCH), jnp.float32),
        scratch_types=(
            [pltpu.VMEM((BPW + 16,), jnp.int32),
             pltpu.VMEM((DIM, BPW), jnp.float32),
             pltpu.VMEM((NBUF, DIM, 128), jnp.float32),
             pltpu.SemaphoreType.DMA((NBUF,))]
        ),
        compiler_params=pltpu.CompilerParams(
            use_tc_tiling_on_sc=True, needs_layout_passes=False),
    )
    return run(tT, ext, idx).T

# --- scband reference (transcript-rebuilt; emitter-appended) ---
"""Pipeline reference for scband-user-embedder-81844896792665 (READ-ONLY COPY).

The authoritative reference and input builder live on the scoring server;
editing this copy changes nothing except your own understanding.
"""

import jax, jax.numpy as jnp
import numpy as np

VOCAB_SIZE = 1000000
EMBED_DIM = 64
BATCH = 16384

def setup_inputs(seed: int = 0) -> dict:
    key = jax.random.key(seed)
    k_idx, k_tab = jax.random.split(key)
    user_id = jax.random.randint(k_idx, (BATCH,), 0, VOCAB_SIZE, dtype=jnp.int64 if jax.config.read('jax_enable_x64') else jnp.int32)
    table = jax.random.normal(k_tab, (VOCAB_SIZE, EMBED_DIM), dtype=jnp.float32)
    return {"user_id": user_id, "table": table}

def reference(user_id, table):
    # nn.Embedding forward: row gather from embedding table
    return jnp.take(table, user_id, axis=0)

if __name__ == "__main__":
    import jax
    _d = setup_inputs()
    print(jax.jit(kernel)(*tuple(_d.values())))

</pallas_src>

<mosaic_0001>
#map = affine_map<(d0, d1) -> (0, 0)>
#map1 = affine_map<(d0, d1) -> (0)>
module attributes {stable_mosaic.version = 14 : i64} {
  func.func @_emb_body(%arg0: i32, %arg1: i32, %arg2: memref<64x1000000xf32, #tpu.memory_space<hbm>>, %arg3: memref<64x256xf32, #tpu.memory_space<hbm>>, %arg4: memref<16384xi32, #tpu.memory_space<hbm>>, %arg5: memref<64x16384xf32, #tpu.memory_space<hbm>>, %arg6: memref<528xi32, #tpu.memory_space<vmem>>, %arg7: memref<64x512xf32, #tpu.memory_space<vmem>>, %arg8: memref<11x64x128xf32, #tpu.memory_space<vmem>>, %arg9: memref<11x!tpu.dma_semaphore, #tpu.memory_space<semaphore_mem>>) attributes {dimension_semantics = [#tpu.dimension_semantics<core_parallel>, #tpu.dimension_semantics<subcore_parallel>], iteration_bounds = array<i64: 2, 16>, scalar_prefetch = 0 : i64, scratch_operands = 4 : i64, tpu.core_type = #tpu.core_type<sc_vector_subcore>, window_params = [{transform_indices = #map}, {transform_indices = #map}, {transform_indices = #map1}, {transform_indices = #map}]} {
    %mul3A = arith.constant 2 : i32
    %mul3A_0 = arith.muli %arg1, %mul3A : i32
    %add3A = arith.addi %mul3A_0, %arg0 : i32
    %mul3A_1 = arith.constant 512 : i32
    %mul3A_2 = arith.muli %add3A, %mul3A_1 : i32
    "tpu.region"() ({
      %run_scoped3A = tpu.sem_alloc : memref<!tpu.dma_semaphore, #tpu.memory_space<semaphore_mem>>
      %dma_start3A = arith.constant 0 : i32
      %dma_start3A_176 = tpu.memref_slice %arg6[%dma_start3A] : memref<528xi32, #tpu.memory_space<vmem>> -> memref<512xi32, #tpu.memory_space<vmem>>
      %dma_start3A_177 = tpu.memref_slice %arg4[%mul3A_2] : memref<16384xi32, #tpu.memory_space<hbm>> -> memref<512xi32, #tpu.memory_space<hbm>>
      %dma_start3A_178 = arith.constant 0 : i32
      %dma_start3A_179 = tpu.memref_slice %arg6[%dma_start3A_178] : memref<528xi32, #tpu.memory_space<vmem>> -> memref<512xi32, #tpu.memory_space<vmem>>
      %dma_start3A_180 = tpu.memref_slice %arg4[%mul3A_2] : memref<16384xi32, #tpu.memory_space<hbm>> -> memref<512xi32, #tpu.memory_space<hbm>>
      tpu.enqueue_dma source(%dma_start3A_180 : memref<512xi32, #tpu.memory_space<hbm>>) target(%dma_start3A_179 : memref<512xi32, #tpu.memory_space<vmem>>) target_semaphore(%run_scoped3A : memref<!tpu.dma_semaphore, #tpu.memory_space<semaphore_mem>>)
      %dma_wait3A = arith.constant 0 : i32
      %dma_wait3A_181 = tpu.memref_slice %arg6[%dma_wait3A] : memref<528xi32, #tpu.memory_space<vmem>> -> memref<512xi32, #tpu.memory_space<vmem>>
      %dma_wait3A_182 = tpu.memref_slice %arg4[%mul3A_2] : memref<16384xi32, #tpu.memory_space<hbm>> -> memref<512xi32, #tpu.memory_space<hbm>>
      %dma_wait3A_183 = arith.constant 0 : i32
      %dma_wait3A_184 = tpu.memref_slice %arg6[%dma_wait3A_183] : memref<528xi32, #tpu.memory_space<vmem>> -> memref<512xi32, #tpu.memory_space<vmem>>
      %dma_wait3A_185 = tpu.memref_slice %arg4[%mul3A_2] : memref<16384xi32, #tpu.memory_space<hbm>> -> memref<512xi32, #tpu.memory_space<hbm>>
      tpu.wait_dma2 semaphore(%run_scoped3A : memref<!tpu.dma_semaphore, #tpu.memory_space<semaphore_mem>>) src(%dma_wait3A_185 : memref<512xi32, #tpu.memory_space<hbm>>) dst(%dma_wait3A_184 : memref<512xi32, #tpu.memory_space<vmem>>)
      tpu.yield
    }) : () -> ()
    %iota3A = tpu.iota {dimensions = array<i32: 0>} : vector<16xi32>
    %get3A = arith.constant 0 : index
    %get3A_3 = tpu.vector_load %arg6[%get3A] {strides = array<i32>} : memref<528xi32, #tpu.memory_space<vmem>>, vector<16xi32>,
    %slice3A = vector.extract_strided_slice %get3A_3 {offsets = [0], sizes = [1], strides = [1]} : vector<16xi32> to vector<1xi32>
    %squeeze3A = vector.extract %slice3A[0] : i32 from vector<1xi32>
    %shift_right_arithmetic3A = arith.constant 7 : i32
    %shift_right_arithmetic3A_4 = arith.shrsi %squeeze3A, %shift_right_arithmetic3A : i32
    %lt3A = arith.constant 7811 : i32
    %lt3A_5 = arith.cmpi slt, %shift_right_arithmetic3A_4, %lt3A : i32
    %convert_element_type3A = arith.extui %lt3A_5 : i1 to i32
    %cond3A = arith.constant 0 : i32
    %cond3A_6 = arith.cmpi ne, %convert_element_type3A, %cond3A : i32
    scf.if %cond3A_6 {
      %mul3A_176 = arith.constant 128 : i32
      %mul3A_177 = arith.muli %shift_right_arithmetic3A_4, %mul3A_176 : i32
      %multiple_of3A = tpu.assume_multiple %mul3A_177, 128 : i32
      %dma_start3A = arith.constant 0 : i32
      %dma_start3A_178 = arith.constant 0 : i32
      %dma_start3A_179 = arith.constant 0 : i32
      %dma_start3A_180 = arith.constant 0 : i32
      %dma_start3A_181 = tpu.memref_slice %arg8[%dma_start3A, %dma_start3A_179, %dma_start3A_180] : memref<11x64x128xf32, #tpu.memory_space<vmem>> -> memref<1x64x128xf32, #tpu.memory_space<vmem>>
      %dma_start3A_182 = tpu.memref_squeeze %dma_start3A_181 : memref<1x64x128xf32, #tpu.memory_space<vmem>> -> memref<64x128xf32, #tpu.memory_space<vmem>>
      %dma_start3A_183 = arith.constant 0 : i32
      %dma_start3A_184 = tpu.memref_slice %arg2[%dma_start3A_183, %multiple_of3A] : memref<64x1000000xf32, #tpu.memory_space<hbm>> -> memref<64x128xf32, #tpu.memory_space<hbm>>
      %dma_start3A_185 = tpu.memref_slice %arg9[%dma_start3A_178] : memref<11x!tpu.dma_semaphore, #tpu.memory_space<semaphore_mem>> -> memref<1x!tpu.dma_semaphore, #tpu.memory_space<semaphore_mem>>
      %dma_start3A_186 = tpu.memref_squeeze %dma_start3A_185 : memref<1x!tpu.dma_semaphore, #tpu.memory_space<semaphore_mem>> -> memref<!tpu.dma_semaphore, #tpu.memory_space<semaphore_mem>>
      %dma_start3A_187 = arith.constant 0 : i32
      %dma_start3A_188 = arith.constant 0 : i32
      %dma_start3A_189 = tpu.memref_slice %arg8[%dma_start3A, %dma_start3A_187, %dma_start3A_188] : memref<11x64x128xf32, #tpu.memory_space<vmem>> -> memref<1x64x128xf32, #tpu.memory_space<vmem>>
      %dma_start3A_190 = tpu.memref_squeeze %dma_start3A_189 : memref<1x64x128xf32, #tpu.memory_space<vmem>> -> memref<64x128xf32, #tpu.memory_space<vmem>>
      %dma_start3A_191 = arith.constant 0 : i32
      %dma_start3A_192 = tpu.memref_slice %arg2[%dma_start3A_191, %multiple_of3A] : memref<64x1000000xf32, #tpu.memory_space<hbm>> -> memref<64x128xf32, #tpu.memory_space<hbm>>
      tpu.enqueue_dma source(%dma_start3A_192 : memref<64x128xf32, #tpu.memory_space<hbm>>) target(%dma_start3A_190 : memref<64x128xf32, #tpu.memory_space<vmem>>) target_semaphore(%dma_start3A_186 : memref<!tpu.dma_semaphore, #tpu.memory_space<semaphore_mem>>)
    } else {
    }
    %ge3A = arith.constant 7811 : i32
    %ge3A_7 = arith.cmpi sge, %shift_right_arithmetic3A_4, %ge3A : i32
    %convert_element_type3A_8 = arith.extui %ge3A_7 : i1 to i32
    %cond3A_9 = arith.constant 0 : i32
    %cond3A_10 = arith.cmpi ne, %convert_element_type3A_8, %cond3A_9 : i32
    scf.if %cond3A_10 {
      %sub3A = arith.constant 7811 : i32
      %sub3A_176 = arith.subi %shift_right_arithmetic3A_4, %sub3A : i32
      %mul3A_177 = arith.constant 128 : i32
      %mul3A_178 = arith.muli %sub3A_176, %mul3A_177 : i32
      %multiple_of3A = tpu.assume_multiple %mul3A_178, 128 : i32
      %dma_start3A = arith.constant 0 : i32
      %dma_start3A_179 = arith.constant 0 : i32
      %dma_start3A_180 = arith.constant 0 : i32
      %dma_start3A_181 = arith.constant 0 : i32
      %dma_start3A_182 = tpu.memref_slice %arg8[%dma_start3A, %dma_start3A_180, %dma_start3A_181] : memref<11x64x128xf32, #tpu.memory_space<vmem>> -> memref<1x64x128xf32, #tpu.memory_space<vmem>>
      %dma_start3A_183 = tpu.memref_squeeze %dma_start3A_182 : memref<1x64x128xf32, #tpu.memory_space<vmem>> -> memref<64x128xf32, #tpu.memory_space<vmem>>
      %dma_start3A_184 = arith.constant 0 : i32
      %dma_start3A_185 = tpu.memref_slice %arg3[%dma_start3A_184, %multiple_of3A] : memref<64x256xf32, #tpu.memory_space<hbm>> -> memref<64x128xf32, #tpu.memory_space<hbm>>
      %dma_start3A_186 = tpu.memref_slice %arg9[%dma_start3A_179] : memref<11x!tpu.dma_semaphore, #tpu.memory_space<semaphore_mem>> -> memref<1x!tpu.dma_semaphore, #tpu.memory_space<semaphore_mem>>
      %dma_start3A_187 = tpu.memref_squeeze %dma_start3A_186 : memref<1x!tpu.dma_semaphore, #tpu.memory_space<semaphore_mem>> -> memref<!tpu.dma_semaphore, #tpu.memory_space<semaphore_mem>>
      %dma_start3A_188 = arith.constant 0 : i32
      %dma_start3A_189 = arith.constant 0 : i32
      %dma_start3A_190 = tpu.memref_slice %arg8[%dma_start3A, %dma_start3A_188, %dma_start3A_189] : memref<11x64x128xf32, #tpu.memory_space<vmem>> -> memref<1x64x128xf32, #tpu.memory_space<vmem>>
      %dma_start3A_191 = tpu.memref_squeeze %dma_start3A_190 : memref<1x64x128xf32, #tpu.memory_space<vmem>> -> memref<64x128xf32, #tpu.memory_space<vmem>>
      %dma_start3A_192 = arith.constant 0 : i32
      %dma_start3A_193 = tpu.memref_slice %arg3[%dma_start3A_192, %multiple_of3A] : memref<64x256xf32, #tpu.memory_space<hbm>> -> memref<64x128xf32, #tpu.memory_space<hbm>>
      tpu.enqueue_dma source(%dma_start3A_193 : memref<64x128xf32, #tpu.memory_space<hbm>>) target(%dma_start3A_191 : memref<64x128xf32, #tpu.memory_space<vmem>>) target_semaphore(%dma_start3A_187 : memref<!tpu.dma_semaphore, #tpu.memory_space<semaphore_mem>>)
    } else {
    }
    %get3A_11 = arith.constant 1 : index
    %get3A_12 = tpu.vector_load %arg6[%get3A_11] {strides = array<i32>} : memref<528xi32, #tpu.memory_space<vmem>>, vector<16xi32>,
    %slice3A_13 = vector.extract_strided_slice %get3A_12 {offsets = [0], sizes = [1], strides = [1]} : vector<16xi32> to vector<1xi32>
    %squeeze3A_14 = vector.extract %slice3A_13[0] : i32 from vector<1xi32>
    %shift_right_arithmetic3A_15 = arith.constant 7 : i32
    %shift_right_arithmetic3A_16 = arith.shrsi %squeeze3A_14, %shift_right_arithmetic3A_15 : i32
    %lt3A_17 = arith.constant 7811 : i32
    %lt3A_18 = arith.cmpi slt, %shift_right_arithmetic3A_16, %lt3A_17 : i32
    %convert_element_type3A_19 = arith.extui %lt3A_18 : i1 to i32
    %cond3A_20 = arith.constant 0 : i32
    %cond3A_21 = arith.cmpi ne, %convert_element_type3A_19, %cond3A_20 : i32
    scf.if %cond3A_21 {
      %mul3A_176 = arith.constant 128 : i32
      %mul3A_177 = arith.muli %shift_right_arithmetic3A_16, %mul3A_176 : i32
      %multiple_of3A = tpu.assume_multiple %mul3A_177, 128 : i32
      %dma_start3A = arith.constant 1 : i32
      %dma_start3A_178 = arith.constant 1 : i32
      %dma_start3A_179 = arith.constant 0 : i32
      %dma_start3A_180 = arith.constant 0 : i32
      %dma_start3A_181 = tpu.memref_slice %arg8[%dma_start3A, %dma_start3A_179, %dma_start3A_180] : memref<11x64x128xf32, #tpu.memory_space<vmem>> -> memref<1x64x128xf32, #tpu.memory_space<vmem>>
      %dma_start3A_182 = tpu.memref_squeeze %dma_start3A_181 : memref<1x64x128xf32, #tpu.memory_space<vmem>> -> memref<64x128xf32, #tpu.memory_space<vmem>>
      %dma_start3A_183 = arith.constant 0 : i32
      %dma_start3A_184 = tpu.memref_slice %arg2[%dma_start3A_183, %multiple_of3A] : memref<64x1000000xf32, #tpu.memory_space<hbm>> -> memref<64x128xf32, #tpu.memory_space<hbm>>
      %dma_start3A_185 = tpu.memref_slice %arg9[%dma_start3A_178] : memref<11x!tpu.dma_semaphore, #tpu.memory_space<semaphore_mem>> -> memref<1x!tpu.dma_semaphore, #tpu.memory_space<semaphore_mem>>
      %dma_start3A_186 = tpu.memref_squeeze %dma_start3A_185 : memref<1x!tpu.dma_semaphore, #tpu.memory_space<semaphore_mem>> -> memref<!tpu.dma_semaphore, #tpu.memory_space<semaphore_mem>>
      %dma_start3A_187 = arith.constant 0 : i32
      %dma_start3A_188 = arith.constant 0 : i32
      %dma_start3A_189 = tpu.memref_slice %arg8[%dma_start3A, %dma_start3A_187, %dma_start3A_188] : memref<11x64x128xf32, #tpu.memory_space<vmem>> -> memref<1x64x128xf32, #tpu.memory_space<vmem>>
      %dma_start3A_190 = tpu.memref_squeeze %dma_start3A_189 : memref<1x64x128xf32, #tpu.memory_space<vmem>> -> memref<64x128xf32, #tpu.memory_space<vmem>>
      %dma_start3A_191 = arith.constant 0 : i32
      %dma_start3A_192 = tpu.memref_slice %arg2[%dma_start3A_191, %multiple_of3A] : memref<64x1000000xf32, #tpu.memory_space<hbm>> -> memref<64x128xf32, #tpu.memory_space<hbm>>
      tpu.enqueue_dma source(%dma_start3A_192 : memref<64x128xf32, #tpu.memory_space<hbm>>) target(%dma_start3A_190 : memref<64x128xf32, #tpu.memory_space<vmem>>) target_semaphore(%dma_start3A_186 : memref<!tpu.dma_semaphore, #tpu.memory_space<semaphore_mem>>)
    } else {
    }
    %ge3A_22 = arith.constant 7811 : i32
    %ge3A_23 = arith.cmpi sge, %shift_right_arithmetic3A_16, %ge3A_22 : i32
    %convert_element_type3A_24 = arith.extui %ge3A_23 : i1 to i32
    %cond3A_25 = arith.constant 0 : i32
    %cond3A_26 = arith.cmpi ne, %convert_element_type3A_24, %cond3A_25 : i32
    scf.if %cond3A_26 {
      %sub3A = arith.constant 7811 : i32
      %sub3A_176 = arith.subi %shift_right_arithmetic3A_16, %sub3A : i32
      %mul3A_177 = arith.constant 128 : i32
      %mul3A_178 = arith.muli %sub3A_176, %mul3A_177 : i32
      %multiple_of3A = tpu.assume_multiple %mul3A_178, 128 : i32
      %dma_start3A = arith.constant 1 : i32
      %dma_start3A_179 = arith.constant 1 : i32
      %dma_start3A_180 = arith.constant 0 : i32
      %dma_start3A_181 = arith.constant 0 : i32
      %dma_start3A_182 = tpu.memref_slice %arg8[%dma_start3A, %dma_start3A_180, %dma_start3A_181] : memref<11x64x128xf32, #tpu.memory_space<vmem>> -> memref<1x64x128xf32, #tpu.memory_space<vmem>>
      %dma_start3A_183 = tpu.memref_squeeze %dma_start3A_182 : memref<1x64x128xf32, #tpu.memory_space<vmem>> -> memref<64x128xf32, #tpu.memory_space<vmem>>
      %dma_start3A_184 = arith.constant 0 : i32
      %dma_start3A_185 = tpu.memref_slice %arg3[%dma_start3A_184, %multiple_of3A] : memref<64x256xf32, #tpu.memory_space<hbm>> -> memref<64x128xf32, #tpu.memory_space<hbm>>
      %dma_start3A_186 = tpu.memref_slice %arg9[%dma_start3A_179] : memref<11x!tpu.dma_semaphore, #tpu.memory_space<semaphore_mem>> -> memref<1x!tpu.dma_semaphore, #tpu.memory_space<semaphore_mem>>
      %dma_start3A_187 = tpu.memref_squeeze %dma_start3A_186 : memref<1x!tpu.dma_semaphore, #tpu.memory_space<semaphore_mem>> -> memref<!tpu.dma_semaphore, #tpu.memory_space<semaphore_mem>>
      %dma_start3A_188 = arith.constant 0 : i32
      %dma_start3A_189 = arith.constant 0 : i32
      %dma_start3A_190 = tpu.memref_slice %arg8[%dma_start3A, %dma_start3A_188, %dma_start3A_189] : memref<11x64x128xf32, #tpu.memory_space<vmem>> -> memref<1x64x128xf32, #tpu.memory_space<vmem>>
      %dma_start3A_191 = tpu.memref_squeeze %dma_start3A_190 : memref<1x64x128xf32, #tpu.memory_space<vmem>> -> memref<64x128xf32, #tpu.memory_space<vmem>>
      %dma_start3A_192 = arith.constant 0 : i32
      %dma_start3A_193 = tpu.memref_slice %arg3[%dma_start3A_192, %multiple_of3A] : memref<64x256xf32, #tpu.memory_space<hbm>> -> memref<64x128xf32, #tpu.memory_space<hbm>>
      tpu.enqueue_dma source(%dma_start3A_193 : memref<64x128xf32, #tpu.memory_space<hbm>>) target(%dma_start3A_191 : memref<64x128xf32, #tpu.memory_space<vmem>>) target_semaphore(%dma_start3A_187 : memref<!tpu.dma_semaphore, #tpu.memory_space<semaphore_mem>>)
    } else {
    }
    %get3A_27 = arith.constant 2 : index
    %get3A_28 = tpu.vector_load %arg6[%get3A_27] {strides = array<i32>} : memref<528xi32, #tpu.memory_space<vmem>>, vector<16xi32>,
    %slice3A_29 = vector.extract_strided_slice %get3A_28 {offsets = [0], sizes = [1], strides = [1]} : vector<16xi32> to vector<1xi32>
    %squeeze3A_30 = vector.extract %slice3A_29[0] : i32 from vector<1xi32>
    %shift_right_arithmetic3A_31 = arith.constant 7 : i32
    %shift_right_arithmetic3A_32 = arith.shrsi %squeeze3A_30, %shift_right_arithmetic3A_31 : i32
    %lt3A_33 = arith.constant 7811 : i32
    %lt3A_34 = arith.cmpi slt, %shift_right_arithmetic3A_32, %lt3A_33 : i32
    %convert_element_type3A_35 = arith.extui %lt3A_34 : i1 to i32
    %cond3A_36 = arith.constant 0 : i32
    %cond3A_37 = arith.cmpi ne, %convert_element_type3A_35, %cond3A_36 : i32
    scf.if %cond3A_37 {
      %mul3A_176 = arith.constant 128 : i32
      %mul3A_177 = arith.muli %shift_right_arithmetic3A_32, %mul3A_176 : i32
      %multiple_of3A = tpu.assume_multiple %mul3A_177, 128 : i32
      %dma_start3A = arith.constant 2 : i32
      %dma_start3A_178 = arith.constant 2 : i32
      %dma_start3A_179 = arith.constant 0 : i32
      %dma_start3A_180 = arith.constant 0 : i32
      %dma_start3A_181 = tpu.memref_slice %arg8[%dma_start3A, %dma_start3A_179, %dma_start3A_180] : memref<11x64x128xf32, #tpu.memory_space<vmem>> -> memref<1x64x128xf32, #tpu.memory_space<vmem>>
      %dma_start3A_182 = tpu.memref_squeeze %dma_start3A_181 : memref<1x64x128xf32, #tpu.memory_space<vmem>> -> memref<64x128xf32, #tpu.memory_space<vmem>>
      %dma_start3A_183 = arith.constant 0 : i32
      %dma_start3A_184 = tpu.memref_slice %arg2[%dma_start3A_183, %multiple_of3A] : memref<64x1000000xf32, #tpu.memory_space<hbm>> -> memref<64x128xf32, #tpu.memory_space<hbm>>
      %dma_start3A_185 = tpu.memref_slice %arg9[%dma_start3A_178] : memref<11x!tpu.dma_semaphore, #tpu.memory_space<semaphore_mem>> -> memref<1x!tpu.dma_semaphore, #tpu.memory_space<semaphore_mem>>
      %dma_start3A_186 = tpu.memref_squeeze %dma_start3A_185 : memref<1x!tpu.dma_semaphore, #tpu.memory_space<semaphore_mem>> -> memref<!tpu.dma_semaphore, #tpu.memory_space<semaphore_mem>>
      %dma_start3A_187 = arith.constant 0 : i32
      %dma_start3A_188 = arith.constant 0 : i32
      %dma_start3A_189 = tpu.memref_slice %arg8[%dma_start3A, %dma_start3A_187, %dma_start3A_188] : memref<11x64x128xf32, #tpu.memory_space<vmem>> -> memref<1x64x128xf32, #tpu.memory_space<vmem>>
      %dma_start3A_190 = tpu.memref_squeeze %dma_start3A_189 : memref<1x64x128xf32, #tpu.memory_space<vmem>> -> memref<64x128xf32, #tpu.memory_space<vmem>>
      %dma_start3A_191 = arith.constant 0 : i32
      %dma_start3A_192 = tpu.memref_slice %arg2[%dma_start3A_191, %multiple_of3A] : memref<64x1000000xf32, #tpu.memory_space<hbm>> -> memref<64x128xf32, #tpu.memory_space<hbm>>
      tpu.enqueue_dma source(%dma_start3A_192 : memref<64x128xf32, #tpu.memory_space<hbm>>) target(%dma_start3A_190 : memref<64x128xf32, #tpu.memory_space<vmem>>) target_semaphore(%dma_start3A_186 : memref<!tpu.dma_semaphore, #tpu.memory_space<semaphore_mem>>)
    } else {
    }
    %ge3A_38 = arith.constant 7811 : i32
    %ge3A_39 = arith.cmpi sge, %shift_right_arithmetic3A_32, %ge3A_38 : i32
    %convert_element_type3A_40 = arith.extui %ge3A_39 : i1 to i32
    %cond3A_41 = arith.constant 0 : i32
    %cond3A_42 = arith.cmpi ne, %convert_element_type3A_40, %cond3A_41 : i32
    scf.if %cond3A_42 {
      %sub3A = arith.constant 7811 : i32
      %sub3A_176 = arith.subi %shift_right_arithmetic3A_32, %sub3A : i32
      %mul3A_177 = arith.constant 128 : i32
      %mul3A_178 = arith.muli %sub3A_176, %mul3A_177 : i32
      %multiple_of3A = tpu.assume_multiple %mul3A_178, 128 : i32
      %dma_start3A = arith.constant 2 : i32
      %dma_start3A_179 = arith.constant 2 : i32
      %dma_start3A_180 = arith.constant 0 : i32
      %dma_start3A_181 = arith.constant 0 : i32
      %dma_start3A_182 = tpu.memref_slice %arg8[%dma_start3A, %dma_start3A_180, %dma_start3A_181] : memref<11x64x128xf32, #tpu.memory_space<vmem>> -> memref<1x64x128xf32, #tpu.memory_space<vmem>>
      %dma_start3A_183 = tpu.memref_squeeze %dma_start3A_182 : memref<1x64x128xf32, #tpu.memory_space<vmem>> -> memref<64x128xf32, #tpu.memory_space<vmem>>
      %dma_start3A_184 = arith.constant 0 : i32
      %dma_start3A_185 = tpu.memref_slice %arg3[%dma_start3A_184, %multiple_of3A] : memref<64x256xf32, #tpu.memory_space<hbm>> -> memref<64x128xf32, #tpu.memory_space<hbm>>
      %dma_start3A_186 = tpu.memref_slice %arg9[%dma_start3A_179] : memref<11x!tpu.dma_semaphore, #tpu.memory_space<semaphore_mem>> -> memref<1x!tpu.dma_semaphore, #tpu.memory_space<semaphore_mem>>
      %dma_start3A_187 = tpu.memref_squeeze %dma_start3A_186 : memref<1x!tpu.dma_semaphore, #tpu.memory_space<semaphore_mem>> -> memref<!tpu.dma_semaphore, #tpu.memory_space<semaphore_mem>>
      %dma_start3A_188 = arith.constant 0 : i32
      %dma_start3A_189 = arith.constant 0 : i32
      %dma_start3A_190 = tpu.memref_slice %arg8[%dma_start3A, %dma_start3A_188, %dma_start3A_189] : memref<11x64x128xf32, #tpu.memory_space<vmem>> -> memref<1x64x128xf32, #tpu.memory_space<vmem>>
      %dma_start3A_191 = tpu.memref_squeeze %dma_start3A_190 : memref<1x64x128xf32, #tpu.memory_space<vmem>> -> memref<64x128xf32, #tpu.memory_space<vmem>>
      %dma_start3A_192 = arith.constant 0 : i32
      %dma_start3A_193 = tpu.memref_slice %arg3[%dma_start3A_192, %multiple_of3A] : memref<64x256xf32, #tpu.memory_space<hbm>> -> memref<64x128xf32, #tpu.memory_space<hbm>>
      tpu.enqueue_dma source(%dma_start3A_193 : memref<64x128xf32, #tpu.memory_space<hbm>>) target(%dma_start3A_191 : memref<64x128xf32, #tpu.memory_space<vmem>>) target_semaphore(%dma_start3A_187 : memref<!tpu.dma_semaphore, #tpu.memory_space<semaphore_mem>>)
    } else {
    }
    %get3A_43 = arith.constant 3 : index
    %get3A_44 = tpu.vector_load %arg6[%get3A_43] {strides = array<i32>} : memref<528xi32, #tpu.memory_space<vmem>>, vector<16xi32>,
    %slice3A_45 = vector.extract_strided_slice %get3A_44 {offsets = [0], sizes = [1], strides = [1]} : vector<16xi32> to vector<1xi32>
    %squeeze3A_46 = vector.extract %slice3A_45[0] : i32 from vector<1xi32>
    %shift_right_arithmetic3A_47 = arith.constant 7 : i32
    %shift_right_arithmetic3A_48 = arith.shrsi %squeeze3A_46, %shift_right_arithmetic3A_47 : i32
    %lt3A_49 = arith.constant 7811 : i32
    %lt3A_50 = arith.cmpi slt, %shift_right_arithmetic3A_48, %lt3A_49 : i32
    %convert_element_type3A_51 = arith.extui %lt3A_50 : i1 to i32
    %cond3A_52 = arith.constant 0 : i32
    %cond3A_53 = arith.cmpi ne, %convert_element_type3A_51, %cond3A_52 : i32
    scf.if %cond3A_53 {
      %mul3A_176 = arith.constant 128 : i32
      %mul3A_177 = arith.muli %shift_right_arithmetic3A_48, %mul3A_176 : i32
      %multiple_of3A = tpu.assume_multiple %mul3A_177, 128 : i32
      %dma_start3A = arith.constant 3 : i32
      %dma_start3A_178 = arith.constant 3 : i32
      %dma_start3A_179 = arith.constant 0 : i32
      %dma_start3A_180 = arith.constant 0 : i32
      %dma_start3A_181 = tpu.memref_slice %arg8[%dma_start3A, %dma_start3A_179, %dma_start3A_180] : memref<11x64x128xf32, #tpu.memory_space<vmem>> -> memref<1x64x128xf32, #tpu.memory_space<vmem>>
      %dma_start3A_182 = tpu.memref_squeeze %dma_start3A_181 : memref<1x64x128xf32, #tpu.memory_space<vmem>> -> memref<64x128xf32, #tpu.memory_space<vmem>>
      %dma_start3A_183 = arith.constant 0 : i32
      %dma_start3A_184 = tpu.memref_slice %arg2[%dma_start3A_183, %multiple_of3A] : memref<64x1000000xf32, #tpu.memory_space<hbm>> -> memref<64x128xf32, #tpu.memory_space<hbm>>
      %dma_start3A_185 = tpu.memref_slice %arg9[%dma_start3A_178] : memref<11x!tpu.dma_semaphore, #tpu.memory_space<semaphore_mem>> -> memref<1x!tpu.dma_semaphore, #tpu.memory_space<semaphore_mem>>
      %dma_start3A_186 = tpu.memref_squeeze %dma_start3A_185 : memref<1x!tpu.dma_semaphore, #tpu.memory_space<semaphore_mem>> -> memref<!tpu.dma_semaphore, #tpu.memory_space<semaphore_mem>>
      %dma_start3A_187 = arith.constant 0 : i32
      %dma_start3A_188 = arith.constant 0 : i32
      %dma_start3A_189 = tpu.memref_slice %arg8[%dma_start3A, %dma_start3A_187, %dma_start3A_188] : memref<11x64x128xf32, #tpu.memory_space<vmem>> -> memref<1x64x128xf32, #tpu.memory_space<vmem>>
      %dma_start3A_190 = tpu.memref_squeeze %dma_start3A_189 : memref<1x64x128xf32, #tpu.memory_space<vmem>> -> memref<64x128xf32, #tpu.memory_space<vmem>>
      %dma_start3A_191 = arith.constant 0 : i32
      %dma_start3A_192 = tpu.memref_slice %arg2[%dma_start3A_191, %multiple_of3A] : memref<64x1000000xf32, #tpu.memory_space<hbm>> -> memref<64x128xf32, #tpu.memory_space<hbm>>
      tpu.enqueue_dma source(%dma_start3A_192 : memref<64x128xf32, #tpu.memory_space<hbm>>) target(%dma_start3A_190 : memref<64x128xf32, #tpu.memory_space<vmem>>) target_semaphore(%dma_start3A_186 : memref<!tpu.dma_semaphore, #tpu.memory_space<semaphore_mem>>)
    } else {
    }
    %ge3A_54 = arith.constant 7811 : i32
    %ge3A_55 = arith.cmpi sge, %shift_right_arithmetic3A_48, %ge3A_54 : i32
    %convert_element_type3A_56 = arith.extui %ge3A_55 : i1 to i32
    %cond3A_57 = arith.constant 0 : i32
    %cond3A_58 = arith.cmpi ne, %convert_element_type3A_56, %cond3A_57 : i32
    scf.if %cond3A_58 {
      %sub3A = arith.constant 7811 : i32
      %sub3A_176 = arith.subi %shift_right_arithmetic3A_48, %sub3A : i32
      %mul3A_177 = arith.constant 128 : i32
      %mul3A_178 = arith.muli %sub3A_176, %mul3A_177 : i32
      %multiple_of3A = tpu.assume_multiple %mul3A_178, 128 : i32
      %dma_start3A = arith.constant 3 : i32
      %dma_start3A_179 = arith.constant 3 : i32
      %dma_start3A_180 = arith.constant 0 : i32
      %dma_start3A_181 = arith.constant 0 : i32
      %dma_start3A_182 = tpu.memref_slice %arg8[%dma_start3A, %dma_start3A_180, %dma_start3A_181] : memref<11x64x128xf32, #tpu.memory_space<vmem>> -> memref<1x64x128xf32, #tpu.memory_space<vmem>>
      %dma_start3A_183 = tpu.memref_squeeze %dma_start3A_182 : memref<1x64x128xf32, #tpu.memory_space<vmem>> -> memref<64x128xf32, #tpu.memory_space<vmem>>
      %dma_start3A_184 = arith.constant 0 : i32
      %dma_start3A_185 = tpu.memref_slice %arg3[%dma_start3A_184, %multiple_of3A] : memref<64x256xf32, #tpu.memory_space<hbm>> -> memref<64x128xf32, #tpu.memory_space<hbm>>
      %dma_start3A_186 = tpu.memref_slice %arg9[%dma_start3A_179] : memref<11x!tpu.dma_semaphore, #tpu.memory_space<semaphore_mem>> -> memref<1x!tpu.dma_semaphore, #tpu.memory_space<semaphore_mem>>
      %dma_start3A_187 = tpu.memref_squeeze %dma_start3A_186 : memref<1x!tpu.dma_semaphore, #tpu.memory_space<semaphore_mem>> -> memref<!tpu.dma_semaphore, #tpu.memory_space<semaphore_mem>>
      %dma_start3A_188 = arith.constant 0 : i32
      %dma_start3A_189 = arith.constant 0 : i32
      %dma_start3A_190 = tpu.memref_slice %arg8[%dma_start3A, %dma_start3A_188, %dma_start3A_189] : memref<11x64x128xf32, #tpu.memory_space<vmem>> -> memref<1x64x128xf32, #tpu.memory_space<vmem>>
      %dma_start3A_191 = tpu.memref_squeeze %dma_start3A_190 : memref<1x64x128xf32, #tpu.memory_space<vmem>> -> memref<64x128xf32, #tpu.memory_space<vmem>>
      %dma_start3A_192 = arith.constant 0 : i32
      %dma_start3A_193 = tpu.memref_slice %arg3[%dma_start3A_192, %multiple_of3A] : memref<64x256xf32, #tpu.memory_space<hbm>> -> memref<64x128xf32, #tpu.memory_space<hbm>>
      tpu.enqueue_dma source(%dma_start3A_193 : memref<64x128xf32, #tpu.memory_space<hbm>>) target(%dma_start3A_191 : memref<64x128xf32, #tpu.memory_space<vmem>>) target_semaphore(%dma_start3A_187 : memref<!tpu.dma_semaphore, #tpu.memory_space<semaphore_mem>>)
    } else {
    }
    %get3A_59 = arith.constant 4 : index
    %get3A_60 = tpu.vector_load %arg6[%get3A_59] {strides = array<i32>} : memref<528xi32, #tpu.memory_space<vmem>>, vector<16xi32>,
    %slice3A_61 = vector.extract_strided_slice %get3A_60 {offsets = [0], sizes = [1], strides = [1]} : vector<16xi32> to vector<1xi32>
    %squeeze3A_62 = vector.extract %slice3A_61[0] : i32 from vector<1xi32>
    %shift_right_arithmetic3A_63 = arith.constant 7 : i32
    %shift_right_arithmetic3A_64 = arith.shrsi %squeeze3A_62, %shift_right_arithmetic3A_63 : i32
    %lt3A_65 = arith.constant 7811 : i32
    %lt3A_66 = arith.cmpi slt, %shift_right_arithmetic3A_64, %lt3A_65 : i32
    %convert_element_type3A_67 = arith.extui %lt3A_66 : i1 to i32
    %cond3A_68 = arith.constant 0 : i32
    %cond3A_69 = arith.cmpi ne, %convert_element_type3A_67, %cond3A_68 : i32
    scf.if %cond3A_69 {
      %mul3A_176 = arith.constant 128 : i32
      %mul3A_177 = arith.muli %shift_right_arithmetic3A_64, %mul3A_176 : i32
      %multiple_of3A = tpu.assume_multiple %mul3A_177, 128 : i32
      %dma_start3A = arith.constant 4 : i32
      %dma_start3A_178 = arith.constant 4 : i32
      %dma_start3A_179 = arith.constant 0 : i32
      %dma_start3A_180 = arith.constant 0 : i32
      %dma_start3A_181 = tpu.memref_slice %arg8[%dma_start3A, %dma_start3A_179, %dma_start3A_180] : memref<11x64x128xf32, #tpu.memory_space<vmem>> -> memref<1x64x128xf32, #tpu.memory_space<vmem>>
      %dma_start3A_182 = tpu.memref_squeeze %dma_start3A_181 : memref<1x64x128xf32, #tpu.memory_space<vmem>> -> memref<64x128xf32, #tpu.memory_space<vmem>>
      %dma_start3A_183 = arith.constant 0 : i32
      %dma_start3A_184 = tpu.memref_slice %arg2[%dma_start3A_183, %multiple_of3A] : memref<64x1000000xf32, #tpu.memory_space<hbm>> -> memref<64x128xf32, #tpu.memory_space<hbm>>
      %dma_start3A_185 = tpu.memref_slice %arg9[%dma_start3A_178] : memref<11x!tpu.dma_semaphore, #tpu.memory_space<semaphore_mem>> -> memref<1x!tpu.dma_semaphore, #tpu.memory_space<semaphore_mem>>
      %dma_start3A_186 = tpu.memref_squeeze %dma_start3A_185 : memref<1x!tpu.dma_semaphore, #tpu.memory_space<semaphore_mem>> -> memref<!tpu.dma_semaphore, #tpu.memory_space<semaphore_mem>>
      %dma_start3A_187 = arith.constant 0 : i32
      %dma_start3A_188 = arith.constant 0 : i32
      %dma_start3A_189 = tpu.memref_slice %arg8[%dma_start3A, %dma_start3A_187, %dma_start3A_188] : memref<11x64x128xf32, #tpu.memory_space<vmem>> -> memref<1x64x128xf32, #tpu.memory_space<vmem>>
      %dma_start3A_190 = tpu.memref_squeeze %dma_start3A_189 : memref<1x64x128xf32, #tpu.memory_space<vmem>> -> memref<64x128xf32, #tpu.memory_space<vmem>>
      %dma_start3A_191 = arith.constant 0 : i32
      %dma_start3A_192 = tpu.memref_slice %arg2[%dma_start3A_191, %multiple_of3A] : memref<64x1000000xf32, #tpu.memory_space<hbm>> -> memref<64x128xf32, #tpu.memory_space<hbm>>
      tpu.enqueue_dma source(%dma_start3A_192 : memref<64x128xf32, #tpu.memory_space<hbm>>) target(%dma_start3A_190 : memref<64x128xf32, #tpu.memory_space<vmem>>) target_semaphore(%dma_start3A_186 : memref<!tpu.dma_semaphore, #tpu.memory_space<semaphore_mem>>)
    } else {
    }
    %ge3A_70 = arith.constant 7811 : i32
    %ge3A_71 = arith.cmpi sge, %shift_right_arithmetic3A_64, %ge3A_70 : i32
    %convert_element_type3A_72 = arith.extui %ge3A_71 : i1 to i32
    %cond3A_73 = arith.constant 0 : i32
    %cond3A_74 = arith.cmpi ne, %convert_element_type3A_72, %cond3A_73 : i32
    scf.if %cond3A_74 {
      %sub3A = arith.constant 7811 : i32
      %sub3A_176 = arith.subi %shift_right_arithmetic3A_64, %sub3A : i32
      %mul3A_177 = arith.constant 128 : i32
      %mul3A_178 = arith.muli %sub3A_176, %mul3A_177 : i32
      %multiple_of3A = tpu.assume_multiple %mul3A_178, 128 : i32
      %dma_start3A = arith.constant 4 : i32
      %dma_start3A_179 = arith.constant 4 : i32
      %dma_start3A_180 = arith.constant 0 : i32
      %dma_start3A_181 = arith.constant 0 : i32
      %dma_start3A_182 = tpu.memref_slice %arg8[%dma_start3A, %dma_start3A_180, %dma_start3A_181] : memref<11x64x128xf32, #tpu.memory_space<vmem>> -> memref<1x64x128xf32, #tpu.memory_space<vmem>>
      %dma_start3A_183 = tpu.memref_squeeze %dma_start3A_182 : memref<1x64x128xf32, #tpu.memory_space<vmem>> -> memref<64x128xf32, #tpu.memory_space<vmem>>
      %dma_start3A_184 = arith.constant 0 : i32
      %dma_start3A_185 = tpu.memref_slice %arg3[%dma_start3A_184, %multiple_of3A] : memref<64x256xf32, #tpu.memory_space<hbm>> -> memref<64x128xf32, #tpu.memory_space<hbm>>
      %dma_start3A_186 = tpu.memref_slice %arg9[%dma_start3A_179] : memref<11x!tpu.dma_semaphore, #tpu.memory_space<semaphore_mem>> -> memref<1x!tpu.dma_semaphore, #tpu.memory_space<semaphore_mem>>
      %dma_start3A_187 = tpu.memref_squeeze %dma_start3A_186 : memref<1x!tpu.dma_semaphore, #tpu.memory_space<semaphore_mem>> -> memref<!tpu.dma_semaphore, #tpu.memory_space<semaphore_mem>>
      %dma_start3A_188 = arith.constant 0 : i32
      %dma_start3A_189 = arith.constant 0 : i32
      %dma_start3A_190 = tpu.memref_slice %arg8[%dma_start3A, %dma_start3A_188, %dma_start3A_189] : memref<11x64x128xf32, #tpu.memory_space<vmem>> -> memref<1x64x128xf32, #tpu.memory_space<vmem>>
      %dma_start3A_191 = tpu.memref_squeeze %dma_start3A_190 : memref<1x64x128xf32, #tpu.memory_space<vmem>> -> memref<64x128xf32, #tpu.memory_space<vmem>>
      %dma_start3A_192 = arith.constant 0 : i32
      %dma_start3A_193 = tpu.memref_slice %arg3[%dma_start3A_192, %multiple_of3A] : memref<64x256xf32, #tpu.memory_space<hbm>> -> memref<64x128xf32, #tpu.memory_space<hbm>>
      tpu.enqueue_dma source(%dma_start3A_193 : memref<64x128xf32, #tpu.memory_space<hbm>>) target(%dma_start3A_191 : memref<64x128xf32, #tpu.memory_space<vmem>>) target_semaphore(%dma_start3A_187 : memref<!tpu.dma_semaphore, #tpu.memory_space<semaphore_mem>>)
    } else {
    }
    %get3A_75 = arith.constant 5 : index
    %get3A_76 = tpu.vector_load %arg6[%get3A_75] {strides = array<i32>} : memref<528xi32, #tpu.memory_space<vmem>>, vector<16xi32>,
    %slice3A_77 = vector.extract_strided_slice %get3A_76 {offsets = [0], sizes = [1], strides = [1]} : vector<16xi32> to vector<1xi32>
    %squeeze3A_78 = vector.extract %slice3A_77[0] : i32 from vector<1xi32>
    %shift_right_arithmetic3A_79 = arith.constant 7 : i32
    %shift_right_arithmetic3A_80 = arith.shrsi %squeeze3A_78, %shift_right_arithmetic3A_79 : i32
    %lt3A_81 = arith.constant 7811 : i32
    %lt3A_82 = arith.cmpi slt, %shift_right_arithmetic3A_80, %lt3A_81 : i32
    %convert_element_type3A_83 = arith.extui %lt3A_82 : i1 to i32
    %cond3A_84 = arith.constant 0 : i32
    %cond3A_85 = arith.cmpi ne, %convert_element_type3A_83, %cond3A_84 : i32
    scf.if %cond3A_85 {
      %mul3A_176 = arith.constant 128 : i32
      %mul3A_177 = arith.muli %shift_right_arithmetic3A_80, %mul3A_176 : i32
      %multiple_of3A = tpu.assume_multiple %mul3A_177, 128 : i32
      %dma_start3A = arith.constant 5 : i32
      %dma_start3A_178 = arith.constant 5 : i32
      %dma_start3A_179 = arith.constant 0 : i32
      %dma_start3A_180 = arith.constant 0 : i32
      %dma_start3A_181 = tpu.memref_slice %arg8[%dma_start3A, %dma_start3A_179, %dma_start3A_180] : memref<11x64x128xf32, #tpu.memory_space<vmem>> -> memref<1x64x128xf32, #tpu.memory_space<vmem>>
      %dma_start3A_182 = tpu.memref_squeeze %dma_start3A_181 : memref<1x64x128xf32, #tpu.memory_space<vmem>> -> memref<64x128xf32, #tpu.memory_space<vmem>>
      %dma_start3A_183 = arith.constant 0 : i32
      %dma_start3A_184 = tpu.memref_slice %arg2[%dma_start3A_183, %multiple_of3A] : memref<64x1000000xf32, #tpu.memory_space<hbm>> -> memref<64x128xf32, #tpu.memory_space<hbm>>
      %dma_start3A_185 = tpu.memref_slice %arg9[%dma_start3A_178] : memref<11x!tpu.dma_semaphore, #tpu.memory_space<semaphore_mem>> -> memref<1x!tpu.dma_semaphore, #tpu.memory_space<semaphore_mem>>
      %dma_start3A_186 = tpu.memref_squeeze %dma_start3A_185 : memref<1x!tpu.dma_semaphore, #tpu.memory_space<semaphore_mem>> -> memref<!tpu.dma_semaphore, #tpu.memory_space<semaphore_mem>>
      %dma_start3A_187 = arith.constant 0 : i32
      %dma_start3A_188 = arith.constant 0 : i32
      %dma_start3A_189 = tpu.memref_slice %arg8[%dma_start3A, %dma_start3A_187, %dma_start3A_188] : memref<11x64x128xf32, #tpu.memory_space<vmem>> -> memref<1x64x128xf32, #tpu.memory_space<vmem>>
      %dma_start3A_190 = tpu.memref_squeeze %dma_start3A_189 : memref<1x64x128xf32, #tpu.memory_space<vmem>> -> memref<64x128xf32, #tpu.memory_space<vmem>>
      %dma_start3A_191 = arith.constant 0 : i32
      %dma_start3A_192 = tpu.memref_slice %arg2[%dma_start3A_191, %multiple_of3A] : memref<64x1000000xf32, #tpu.memory_space<hbm>> -> memref<64x128xf32, #tpu.memory_space<hbm>>
      tpu.enqueue_dma source(%dma_start3A_192 : memref<64x128xf32, #tpu.memory_space<hbm>>) target(%dma_start3A_190 : memref<64x128xf32, #tpu.memory_space<vmem>>) target_semaphore(%dma_start3A_186 : memref<!tpu.dma_semaphore, #tpu.memory_space<semaphore_mem>>)
    } else {
    }
    %ge3A_86 = arith.constant 7811 : i32
    %ge3A_87 = arith.cmpi sge, %shift_right_arithmetic3A_80, %ge3A_86 : i32
    %convert_element_type3A_88 = arith.extui %ge3A_87 : i1 to i32
    %cond3A_89 = arith.constant 0 : i32
    %cond3A_90 = arith.cmpi ne, %convert_element_type3A_88, %cond3A_89 : i32
    scf.if %cond3A_90 {
      %sub3A = arith.constant 7811 : i32
      %sub3A_176 = arith.subi %shift_right_arithmetic3A_80, %sub3A : i32
      %mul3A_177 = arith.constant 128 : i32
      %mul3A_178 = arith.muli %sub3A_176, %mul3A_177 : i32
      %multiple_of3A = tpu.assume_multiple %mul3A_178, 128 : i32
      %dma_start3A = arith.constant 5 : i32
      %dma_start3A_179 = arith.constant 5 : i32
      %dma_start3A_180 = arith.constant 0 : i32
      %dma_start3A_181 = arith.constant 0 : i32
      %dma_start3A_182 = tpu.memref_slice %arg8[%dma_start3A, %dma_start3A_180, %dma_start3A_181] : memref<11x64x128xf32, #tpu.memory_space<vmem>> -> memref<1x64x128xf32, #tpu.memory_space<vmem>>
      %dma_start3A_183 = tpu.memref_squeeze %dma_start3A_182 : memref<1x64x128xf32, #tpu.memory_space<vmem>> -> memref<64x128xf32, #tpu.memory_space<vmem>>
      %dma_start3A_184 = arith.constant 0 : i32
      %dma_start3A_185 = tpu.memref_slice %arg3[%dma_start3A_184, %multiple_of3A] : memref<64x256xf32, #tpu.memory_space<hbm>> -> memref<64x128xf32, #tpu.memory_space<hbm>>
      %dma_start3A_186 = tpu.memref_slice %arg9[%dma_start3A_179] : memref<11x!tpu.dma_semaphore, #tpu.memory_space<semaphore_mem>> -> memref<1x!tpu.dma_semaphore, #tpu.memory_space<semaphore_mem>>
      %dma_start3A_187 = tpu.memref_squeeze %dma_start3A_186 : memref<1x!tpu.dma_semaphore, #tpu.memory_space<semaphore_mem>> -> memref<!tpu.dma_semaphore, #tpu.memory_space<semaphore_mem>>
      %dma_start3A_188 = arith.constant 0 : i32
      %dma_start3A_189 = arith.constant 0 : i32
      %dma_start3A_190 = tpu.memref_slice %arg8[%dma_start3A, %dma_start3A_188, %dma_start3A_189] : memref<11x64x128xf32, #tpu.memory_space<vmem>> -> memref<1x64x128xf32, #tpu.memory_space<vmem>>
      %dma_start3A_191 = tpu.memref_squeeze %dma_start3A_190 : memref<1x64x128xf32, #tpu.memory_space<vmem>> -> memref<64x128xf32, #tpu.memory_space<vmem>>
      %dma_start3A_192 = arith.constant 0 : i32
      %dma_start3A_193 = tpu.memref_slice %arg3[%dma_start3A_192, %multiple_of3A] : memref<64x256xf32, #tpu.memory_space<hbm>> -> memref<64x128xf32, #tpu.memory_space<hbm>>
      tpu.enqueue_dma source(%dma_start3A_193 : memref<64x128xf32, #tpu.memory_space<hbm>>) target(%dma_start3A_191 : memref<64x128xf32, #tpu.memory_space<vmem>>) target_semaphore(%dma_start3A_187 : memref<!tpu.dma_semaphore, #tpu.memory_space<semaphore_mem>>)
    } else {
    }
    %get3A_91 = arith.constant 6 : index
    %get3A_92 = tpu.vector_load %arg6[%get3A_91] {strides = array<i32>} : memref<528xi32, #tpu.memory_space<vmem>>, vector<16xi32>,
    %slice3A_93 = vector.extract_strided_slice %get3A_92 {offsets = [0], sizes = [1], strides = [1]} : vector<16xi32> to vector<1xi32>
    %squeeze3A_94 = vector.extract %slice3A_93[0] : i32 from vector<1xi32>
    %shift_right_arithmetic3A_95 = arith.constant 7 : i32
    %shift_right_arithmetic3A_96 = arith.shrsi %squeeze3A_94, %shift_right_arithmetic3A_95 : i32
    %lt3A_97 = arith.constant 7811 : i32
    %lt3A_98 = arith.cmpi slt, %shift_right_arithmetic3A_96, %lt3A_97 : i32
    %convert_element_type3A_99 = arith.extui %lt3A_98 : i1 to i32
    %cond3A_100 = arith.constant 0 : i32
    %cond3A_101 = arith.cmpi ne, %convert_element_type3A_99, %cond3A_100 : i32
    scf.if %cond3A_101 {
      %mul3A_176 = arith.constant 128 : i32
      %mul3A_177 = arith.muli %shift_right_arithmetic3A_96, %mul3A_176 : i32
      %multiple_of3A = tpu.assume_multiple %mul3A_177, 128 : i32
      %dma_start3A = arith.constant 6 : i32
      %dma_start3A_178 = arith.constant 6 : i32
      %dma_start3A_179 = arith.constant 0 : i32
      %dma_start3A_180 = arith.constant 0 : i32
      %dma_start3A_181 = tpu.memref_slice %arg8[%dma_start3A, %dma_start3A_179, %dma_start3A_180] : memref<11x64x128xf32, #tpu.memory_space<vmem>> -> memref<1x64x128xf32, #tpu.memory_space<vmem>>
      %dma_start3A_182 = tpu.memref_squeeze %dma_start3A_181 : memref<1x64x128xf32, #tpu.memory_space<vmem>> -> memref<64x128xf32, #tpu.memory_space<vmem>>
      %dma_start3A_183 = arith.constant 0 : i32
      %dma_start3A_184 = tpu.memref_slice %arg2[%dma_start3A_183, %multiple_of3A] : memref<64x1000000xf32, #tpu.memory_space<hbm>> -> memref<64x128xf32, #tpu.memory_space<hbm>>
      %dma_start3A_185 = tpu.memref_slice %arg9[%dma_start3A_178] : memref<11x!tpu.dma_semaphore, #tpu.memory_space<semaphore_mem>> -> memref<1x!tpu.dma_semaphore, #tpu.memory_space<semaphore_mem>>
      %dma_start3A_186 = tpu.memref_squeeze %dma_start3A_185 : memref<1x!tpu.dma_semaphore, #tpu.memory_space<semaphore_mem>> -> memref<!tpu.dma_semaphore, #tpu.memory_space<semaphore_mem>>
      %dma_start3A_187 = arith.constant 0 : i32
      %dma_start3A_188 = arith.constant 0 : i32
      %dma_start3A_189 = tpu.memref_slice %arg8[%dma_start3A, %dma_start3A_187, %dma_start3A_188] : memref<11x64x128xf32, #tpu.memory_space<vmem>> -> memref<1x64x128xf32, #tpu.memory_space<vmem>>
      %dma_start3A_190 = tpu.memref_squeeze %dma_start3A_189 : memref<1x64x128xf32, #tpu.memory_space<vmem>> -> memref<64x128xf32, #tpu.memory_space<vmem>>
      %dma_start3A_191 = arith.constant 0 : i32
      %dma_start3A_192 = tpu.memref_slice %arg2[%dma_start3A_191, %multiple_of3A] : memref<64x1000000xf32, #tpu.memory_space<hbm>> -> memref<64x128xf32, #tpu.memory_space<hbm>>
      tpu.enqueue_dma source(%dma_start3A_192 : memref<64x128xf32, #tpu.memory_space<hbm>>) target(%dma_start3A_190 : memref<64x128xf32, #tpu.memory_space<vmem>>) target_semaphore(%dma_start3A_186 : memref<!tpu.dma_semaphore, #tpu.memory_space<semaphore_mem>>)
    } else {
    }
    %ge3A_102 = arith.constant 7811 : i32
    %ge3A_103 = arith.cmpi sge, %shift_right_arithmetic3A_96, %ge3A_102 : i32
    %convert_element_type3A_104 = arith.extui %ge3A_103 : i1 to i32
    %cond3A_105 = arith.constant 0 : i32
    %cond3A_106 = arith.cmpi ne, %convert_element_type3A_104, %cond3A_105 : i32
    scf.if %cond3A_106 {
      %sub3A = arith.constant 7811 : i32
      %sub3A_176 = arith.subi %shift_right_arithmetic3A_96, %sub3A : i32
      %mul3A_177 = arith.constant 128 : i32
      %mul3A_178 = arith.muli %sub3A_176, %mul3A_177 : i32
      %multiple_of3A = tpu.assume_multiple %mul3A_178, 128 : i32
      %dma_start3A = arith.constant 6 : i32
      %dma_start3A_179 = arith.constant 6 : i32
      %dma_start3A_180 = arith.constant 0 : i32
      %dma_start3A_181 = arith.constant 0 : i32
      %dma_start3A_182 = tpu.memref_slice %arg8[%dma_start3A, %dma_start3A_180, %dma_start3A_181] : memref<11x64x128xf32, #tpu.memory_space<vmem>> -> memref<1x64x128xf32, #tpu.memory_space<vmem>>
      %dma_start3A_183 = tpu.memref_squeeze %dma_start3A_182 : memref<1x64x128xf32, #tpu.memory_space<vmem>> -> memref<64x128xf32, #tpu.memory_space<vmem>>
      %dma_start3A_184 = arith.constant 0 : i32
      %dma_start3A_185 = tpu.memref_slice %arg3[%dma_start3A_184, %multiple_of3A] : memref<64x256xf32, #tpu.memory_space<hbm>> -> memref<64x128xf32, #tpu.memory_space<hbm>>
      %dma_start3A_186 = tpu.memref_slice %arg9[%dma_start3A_179] : memref<11x!tpu.dma_semaphore, #tpu.memory_space<semaphore_mem>> -> memref<1x!tpu.dma_semaphore, #tpu.memory_space<semaphore_mem>>
      %dma_start3A_187 = tpu.memref_squeeze %dma_start3A_186 : memref<1x!tpu.dma_semaphore, #tpu.memory_space<semaphore_mem>> -> memref<!tpu.dma_semaphore, #tpu.memory_space<semaphore_mem>>
      %dma_start3A_188 = arith.constant 0 : i32
      %dma_start3A_189 = arith.constant 0 : i32
      %dma_start3A_190 = tpu.memref_slice %arg8[%dma_start3A, %dma_start3A_188, %dma_start3A_189] : memref<11x64x128xf32, #tpu.memory_space<vmem>> -> memref<1x64x128xf32, #tpu.memory_space<vmem>>
      %dma_start3A_191 = tpu.memref_squeeze %dma_start3A_190 : memref<1x64x128xf32, #tpu.memory_space<vmem>> -> memref<64x128xf32, #tpu.memory_space<vmem>>
      %dma_start3A_192 = arith.constant 0 : i32
      %dma_start3A_193 = tpu.memref_slice %arg3[%dma_start3A_192, %multiple_of3A] : memref<64x256xf32, #tpu.memory_space<hbm>> -> memref<64x128xf32, #tpu.memory_space<hbm>>
      tpu.enqueue_dma source(%dma_start3A_193 : memref<64x128xf32, #tpu.memory_space<hbm>>) target(%dma_start3A_191 : memref<64x128xf32, #tpu.memory_space<vmem>>) target_semaphore(%dma_start3A_187 : memref<!tpu.dma_semaphore, #tpu.memory_space<semaphore_mem>>)
    } else {
    }
    %get3A_107 = arith.constant 7 : index
    %get3A_108 = tpu.vector_load %arg6[%get3A_107] {strides = array<i32>} : memref<528xi32, #tpu.memory_space<vmem>>, vector<16xi32>,
    %slice3A_109 = vector.extract_strided_slice %get3A_108 {offsets = [0], sizes = [1], strides = [1]} : vector<16xi32> to vector<1xi32>
    %squeeze3A_110 = vector.extract %slice3A_109[0] : i32 from vector<1xi32>
    %shift_right_arithmetic3A_111 = arith.constant 7 : i32
    %shift_right_arithmetic3A_112 = arith.shrsi %squeeze3A_110, %shift_right_arithmetic3A_111 : i32
    %lt3A_113 = arith.constant 7811 : i32
    %lt3A_114 = arith.cmpi slt, %shift_right_arithmetic3A_112, %lt3A_113 : i32
    %convert_element_type3A_115 = arith.extui %lt3A_114 : i1 to i32
    %cond3A_116 = arith.constant 0 : i32
    %cond3A_117 = arith.cmpi ne, %convert_element_type3A_115, %cond3A_116 : i32
    scf.if %cond3A_117 {
      %mul3A_176 = arith.constant 128 : i32
      %mul3A_177 = arith.muli %shift_right_arithmetic3A_112, %mul3A_176 : i32
      %multiple_of3A = tpu.assume_multiple %mul3A_177, 128 : i32
      %dma_start3A = arith.constant 7 : i32
      %dma_start3A_178 = arith.constant 7 : i32
      %dma_start3A_179 = arith.constant 0 : i32
      %dma_start3A_180 = arith.constant 0 : i32
      %dma_start3A_181 = tpu.memref_slice %arg8[%dma_start3A, %dma_start3A_179, %dma_start3A_180] : memref<11x64x128xf32, #tpu.memory_space<vmem>> -> memref<1x64x128xf32, #tpu.memory_space<vmem>>
      %dma_start3A_182 = tpu.memref_squeeze %dma_start3A_181 : memref<1x64x128xf32, #tpu.memory_space<vmem>> -> memref<64x128xf32, #tpu.memory_space<vmem>>
      %dma_start3A_183 = arith.constant 0 : i32
      %dma_start3A_184 = tpu.memref_slice %arg2[%dma_start3A_183, %multiple_of3A] : memref<64x1000000xf32, #tpu.memory_space<hbm>> -> memref<64x128xf32, #tpu.memory_space<hbm>>
      %dma_start3A_185 = tpu.memref_slice %arg9[%dma_start3A_178] : memref<11x!tpu.dma_semaphore, #tpu.memory_space<semaphore_mem>> -> memref<1x!tpu.dma_semaphore, #tpu.memory_space<semaphore_mem>>
      %dma_start3A_186 = tpu.memref_squeeze %dma_start3A_185 : memref<1x!tpu.dma_semaphore, #tpu.memory_space<semaphore_mem>> -> memref<!tpu.dma_semaphore, #tpu.memory_space<semaphore_mem>>
      %dma_start3A_187 = arith.constant 0 : i32
      %dma_start3A_188 = arith.constant 0 : i32
      %dma_start3A_189 = tpu.memref_slice %arg8[%dma_start3A, %dma_start3A_187, %dma_start3A_188] : memref<11x64x128xf32, #tpu.memory_space<vmem>> -> memref<1x64x128xf32, #tpu.memory_space<vmem>>
      %dma_start3A_190 = tpu.memref_squeeze %dma_start3A_189 : memref<1x64x128xf32, #tpu.memory_space<vmem>> -> memref<64x128xf32, #tpu.memory_space<vmem>>
      %dma_start3A_191 = arith.constant 0 : i32
      %dma_start3A_192 = tpu.memref_slice %arg2[%dma_start3A_191, %multiple_of3A] : memref<64x1000000xf32, #tpu.memory_space<hbm>> -> memref<64x128xf32, #tpu.memory_space<hbm>>
      tpu.enqueue_dma source(%dma_start3A_192 : memref<64x128xf32, #tpu.memory_space<hbm>>) target(%dma_start3A_190 : memref<64x128xf32, #tpu.memory_space<vmem>>) target_semaphore(%dma_start3A_186 : memref<!tpu.dma_semaphore, #tpu.memory_space<semaphore_mem>>)
    } else {
    }
    %ge3A_118 = arith.constant 7811 : i32
    %ge3A_119 = arith.cmpi sge, %shift_right_arithmetic3A_112, %ge3A_118 : i32
    %convert_element_type3A_120 = arith.extui %ge3A_119 : i1 to i32
    %cond3A_121 = arith.constant 0 : i32
    %cond3A_122 = arith.cmpi ne, %convert_element_type3A_120, %cond3A_121 : i32
    scf.if %cond3A_122 {
      %sub3A = arith.constant 7811 : i32
      %sub3A_176 = arith.subi %shift_right_arithmetic3A_112, %sub3A : i32
      %mul3A_177 = arith.constant 128 : i32
      %mul3A_178 = arith.muli %sub3A_176, %mul3A_177 : i32
      %multiple_of3A = tpu.assume_multiple %mul3A_178, 128 : i32
      %dma_start3A = arith.constant 7 : i32
      %dma_start3A_179 = arith.constant 7 : i32
      %dma_start3A_180 = arith.constant 0 : i32
      %dma_start3A_181 = arith.constant 0 : i32
      %dma_start3A_182 = tpu.memref_slice %arg8[%dma_start3A, %dma_start3A_180, %dma_start3A_181] : memref<11x64x128xf32, #tpu.memory_space<vmem>> -> memref<1x64x128xf32, #tpu.memory_space<vmem>>
      %dma_start3A_183 = tpu.memref_squeeze %dma_start3A_182 : memref<1x64x128xf32, #tpu.memory_space<vmem>> -> memref<64x128xf32, #tpu.memory_space<vmem>>
      %dma_start3A_184 = arith.constant 0 : i32
      %dma_start3A_185 = tpu.memref_slice %arg3[%dma_start3A_184, %multiple_of3A] : memref<64x256xf32, #tpu.memory_space<hbm>> -> memref<64x128xf32, #tpu.memory_space<hbm>>
      %dma_start3A_186 = tpu.memref_slice %arg9[%dma_start3A_179] : memref<11x!tpu.dma_semaphore, #tpu.memory_space<semaphore_mem>> -> memref<1x!tpu.dma_semaphore, #tpu.memory_space<semaphore_mem>>
      %dma_start3A_187 = tpu.memref_squeeze %dma_start3A_186 : memref<1x!tpu.dma_semaphore, #tpu.memory_space<semaphore_mem>> -> memref<!tpu.dma_semaphore, #tpu.memory_space<semaphore_mem>>
      %dma_start3A_188 = arith.constant 0 : i32
      %dma_start3A_189 = arith.constant 0 : i32
      %dma_start3A_190 = tpu.memref_slice %arg8[%dma_start3A, %dma_start3A_188, %dma_start3A_189] : memref<11x64x128xf32, #tpu.memory_space<vmem>> -> memref<1x64x128xf32, #tpu.memory_space<vmem>>
      %dma_start3A_191 = tpu.memref_squeeze %dma_start3A_190 : memref<1x64x128xf32, #tpu.memory_space<vmem>> -> memref<64x128xf32, #tpu.memory_space<vmem>>
      %dma_start3A_192 = arith.constant 0 : i32
      %dma_start3A_193 = tpu.memref_slice %arg3[%dma_start3A_192, %multiple_of3A] : memref<64x256xf32, #tpu.memory_space<hbm>> -> memref<64x128xf32, #tpu.memory_space<hbm>>
      tpu.enqueue_dma source(%dma_start3A_193 : memref<64x128xf32, #tpu.memory_space<hbm>>) target(%dma_start3A_191 : memref<64x128xf32, #tpu.memory_space<vmem>>) target_semaphore(%dma_start3A_187 : memref<!tpu.dma_semaphore, #tpu.memory_space<semaphore_mem>>)
    } else {
    }
    %get3A_123 = arith.constant 8 : index
    %get3A_124 = tpu.vector_load %arg6[%get3A_123] {strides = array<i32>} : memref<528xi32, #tpu.memory_space<vmem>>, vector<16xi32>,
    %slice3A_125 = vector.extract_strided_slice %get3A_124 {offsets = [0], sizes = [1], strides = [1]} : vector<16xi32> to vector<1xi32>
    %squeeze3A_126 = vector.extract %slice3A_125[0] : i32 from vector<1xi32>
    %shift_right_arithmetic3A_127 = arith.constant 7 : i32
    %shift_right_arithmetic3A_128 = arith.shrsi %squeeze3A_126, %shift_right_arithmetic3A_127 : i32
    %lt3A_129 = arith.constant 7811 : i32
    %lt3A_130 = arith.cmpi slt, %shift_right_arithmetic3A_128, %lt3A_129 : i32
    %convert_element_type3A_131 = arith.extui %lt3A_130 : i1 to i32
    %cond3A_132 = arith.constant 0 : i32
    %cond3A_133 = arith.cmpi ne, %convert_element_type3A_131, %cond3A_132 : i32
    scf.if %cond3A_133 {
      %mul3A_176 = arith.constant 128 : i32
      %mul3A_177 = arith.muli %shift_right_arithmetic3A_128, %mul3A_176 : i32
      %multiple_of3A = tpu.assume_multiple %mul3A_177, 128 : i32
      %dma_start3A = arith.constant 8 : i32
      %dma_start3A_178 = arith.constant 8 : i32
      %dma_start3A_179 = arith.constant 0 : i32
      %dma_start3A_180 = arith.constant 0 : i32
      %dma_start3A_181 = tpu.memref_slice %arg8[%dma_start3A, %dma_start3A_179, %dma_start3A_180] : memref<11x64x128xf32, #tpu.memory_space<vmem>> -> memref<1x64x128xf32, #tpu.memory_space<vmem>>
      %dma_start3A_182 = tpu.memref_squeeze %dma_start3A_181 : memref<1x64x128xf32, #tpu.memory_space<vmem>> -> memref<64x128xf32, #tpu.memory_space<vmem>>
      %dma_start3A_183 = arith.constant 0 : i32
      %dma_start3A_184 = tpu.memref_slice %arg2[%dma_start3A_183, %multiple_of3A] : memref<64x1000000xf32, #tpu.memory_space<hbm>> -> memref<64x128xf32, #tpu.memory_space<hbm>>
      %dma_start3A_185 = tpu.memref_slice %arg9[%dma_start3A_178] : memref<11x!tpu.dma_semaphore, #tpu.memory_space<semaphore_mem>> -> memref<1x!tpu.dma_semaphore, #tpu.memory_space<semaphore_mem>>
      %dma_start3A_186 = tpu.memref_squeeze %dma_start3A_185 : memref<1x!tpu.dma_semaphore, #tpu.memory_space<semaphore_mem>> -> memref<!tpu.dma_semaphore, #tpu.memory_space<semaphore_mem>>
      %dma_start3A_187 = arith.constant 0 : i32
      %dma_start3A_188 = arith.constant 0 : i32
      %dma_start3A_189 = tpu.memref_slice %arg8[%dma_start3A, %dma_start3A_187, %dma_start3A_188] : memref<11x64x128xf32, #tpu.memory_space<vmem>> -> memref<1x64x128xf32, #tpu.memory_space<vmem>>
      %dma_start3A_190 = tpu.memref_squeeze %dma_start3A_189 : memref<1x64x128xf32, #tpu.memory_space<vmem>> -> memref<64x128xf32, #tpu.memory_space<vmem>>
      %dma_start3A_191 = arith.constant 0 : i32
      %dma_start3A_192 = tpu.memref_slice %arg2[%dma_start3A_191, %multiple_of3A] : memref<64x1000000xf32, #tpu.memory_space<hbm>> -> memref<64x128xf32, #tpu.memory_space<hbm>>
      tpu.enqueue_dma source(%dma_start3A_192 : memref<64x128xf32, #tpu.memory_space<hbm>>) target(%dma_start3A_190 : memref<64x128xf32, #tpu.memory_space<vmem>>) target_semaphore(%dma_start3A_186 : memref<!tpu.dma_semaphore, #tpu.memory_space<semaphore_mem>>)
    } else {
    }
    %ge3A_134 = arith.constant 7811 : i32
    %ge3A_135 = arith.cmpi sge, %shift_right_arithmetic3A_128, %ge3A_134 : i32
    %convert_element_type3A_136 = arith.extui %ge3A_135 : i1 to i32
    %cond3A_137 = arith.constant 0 : i32
    %cond3A_138 = arith.cmpi ne, %convert_element_type3A_136, %cond3A_137 : i32
    scf.if %cond3A_138 {
      %sub3A = arith.constant 7811 : i32
      %sub3A_176 = arith.subi %shift_right_arithmetic3A_128, %sub3A : i32
      %mul3A_177 = arith.constant 128 : i32
      %mul3A_178 = arith.muli %sub3A_176, %mul3A_177 : i32
      %multiple_of3A = tpu.assume_multiple %mul3A_178, 128 : i32
      %dma_start3A = arith.constant 8 : i32
      %dma_start3A_179 = arith.constant 8 : i32
      %dma_start3A_180 = arith.constant 0 : i32
      %dma_start3A_181 = arith.constant 0 : i32
      %dma_start3A_182 = tpu.memref_slice %arg8[%dma_start3A, %dma_start3A_180, %dma_start3A_181] : memref<11x64x128xf32, #tpu.memory_space<vmem>> -> memref<1x64x128xf32, #tpu.memory_space<vmem>>
      %dma_start3A_183 = tpu.memref_squeeze %dma_start3A_182 : memref<1x64x128xf32, #tpu.memory_space<vmem>> -> memref<64x128xf32, #tpu.memory_space<vmem>>
      %dma_start3A_184 = arith.constant 0 : i32
      %dma_start3A_185 = tpu.memref_slice %arg3[%dma_start3A_184, %multiple_of3A] : memref<64x256xf32, #tpu.memory_space<hbm>> -> memref<64x128xf32, #tpu.memory_space<hbm>>
      %dma_start3A_186 = tpu.memref_slice %arg9[%dma_start3A_179] : memref<11x!tpu.dma_semaphore, #tpu.memory_space<semaphore_mem>> -> memref<1x!tpu.dma_semaphore, #tpu.memory_space<semaphore_mem>>
      %dma_start3A_187 = tpu.memref_squeeze %dma_start3A_186 : memref<1x!tpu.dma_semaphore, #tpu.memory_space<semaphore_mem>> -> memref<!tpu.dma_semaphore, #tpu.memory_space<semaphore_mem>>
      %dma_start3A_188 = arith.constant 0 : i32
      %dma_start3A_189 = arith.constant 0 : i32
      %dma_start3A_190 = tpu.memref_slice %arg8[%dma_start3A, %dma_start3A_188, %dma_start3A_189] : memref<11x64x128xf32, #tpu.memory_space<vmem>> -> memref<1x64x128xf32, #tpu.memory_space<vmem>>
      %dma_start3A_191 = tpu.memref_squeeze %dma_start3A_190 : memref<1x64x128xf32, #tpu.memory_space<vmem>> -> memref<64x128xf32, #tpu.memory_space<vmem>>
      %dma_start3A_192 = arith.constant 0 : i32
      %dma_start3A_193 = tpu.memref_slice %arg3[%dma_start3A_192, %multiple_of3A] : memref<64x256xf32, #tpu.memory_space<hbm>> -> memref<64x128xf32, #tpu.memory_space<hbm>>
      tpu.enqueue_dma source(%dma_start3A_193 : memref<64x128xf32, #tpu.memory_space<hbm>>) target(%dma_start3A_191 : memref<64x128xf32, #tpu.memory_space<vmem>>) target_semaphore(%dma_start3A_187 : memref<!tpu.dma_semaphore, #tpu.memory_space<semaphore_mem>>)
    } else {
    }
    %get3A_139 = arith.constant 9 : index
    %get3A_140 = tpu.vector_load %arg6[%get3A_139] {strides = array<i32>} : memref<528xi32, #tpu.memory_space<vmem>>, vector<16xi32>,
    %slice3A_141 = vector.extract_strided_slice %get3A_140 {offsets = [0], sizes = [1], strides = [1]} : vector<16xi32> to vector<1xi32>
    %squeeze3A_142 = vector.extract %slice3A_141[0] : i32 from vector<1xi32>
    %shift_right_arithmetic3A_143 = arith.constant 7 : i32
    %shift_right_arithmetic3A_144 = arith.shrsi %squeeze3A_142, %shift_right_arithmetic3A_143 : i32
    %lt3A_145 = arith.constant 7811 : i32
    %lt3A_146 = arith.cmpi slt, %shift_right_arithmetic3A_144, %lt3A_145 : i32
    %convert_element_type3A_147 = arith.extui %lt3A_146 : i1 to i32
    %cond3A_148 = arith.constant 0 : i32
    %cond3A_149 = arith.cmpi ne, %convert_element_type3A_147, %cond3A_148 : i32
    scf.if %cond3A_149 {
      %mul3A_176 = arith.constant 128 : i32
      %mul3A_177 = arith.muli %shift_right_arithmetic3A_144, %mul3A_176 : i32
      %multiple_of3A = tpu.assume_multiple %mul3A_177, 128 : i32
      %dma_start3A = arith.constant 9 : i32
      %dma_start3A_178 = arith.constant 9 : i32
      %dma_start3A_179 = arith.constant 0 : i32
      %dma_start3A_180 = arith.constant 0 : i32
      %dma_start3A_181 = tpu.memref_slice %arg8[%dma_start3A, %dma_start3A_179, %dma_start3A_180] : memref<11x64x128xf32, #tpu.memory_space<vmem>> -> memref<1x64x128xf32, #tpu.memory_space<vmem>>
      %dma_start3A_182 = tpu.memref_squeeze %dma_start3A_181 : memref<1x64x128xf32, #tpu.memory_space<vmem>> -> memref<64x128xf32, #tpu.memory_space<vmem>>
      %dma_start3A_183 = arith.constant 0 : i32
      %dma_start3A_184 = tpu.memref_slice %arg2[%dma_start3A_183, %multiple_of3A] : memref<64x1000000xf32, #tpu.memory_space<hbm>> -> memref<64x128xf32, #tpu.memory_space<hbm>>
      %dma_start3A_185 = tpu.memref_slice %arg9[%dma_start3A_178] : memref<11x!tpu.dma_semaphore, #tpu.memory_space<semaphore_mem>> -> memref<1x!tpu.dma_semaphore, #tpu.memory_space<semaphore_mem>>
      %dma_start3A_186 = tpu.memref_squeeze %dma_start3A_185 : memref<1x!tpu.dma_semaphore, #tpu.memory_space<semaphore_mem>> -> memref<!tpu.dma_semaphore, #tpu.memory_space<semaphore_mem>>
      %dma_start3A_187 = arith.constant 0 : i32
      %dma_start3A_188 = arith.constant 0 : i32
      %dma_start3A_189 = tpu.memref_slice %arg8[%dma_start3A, %dma_start3A_187, %dma_start3A_188] : memref<11x64x128xf32, #tpu.memory_space<vmem>> -> memref<1x64x128xf32, #tpu.memory_space<vmem>>
      %dma_start3A_190 = tpu.memref_squeeze %dma_start3A_189 : memref<1x64x128xf32, #tpu.memory_space<vmem>> -> memref<64x128xf32, #tpu.memory_space<vmem>>
      %dma_start3A_191 = arith.constant 0 : i32
      %dma_start3A_192 = tpu.memref_slice %arg2[%dma_start3A_191, %multiple_of3A] : memref<64x1000000xf32, #tpu.memory_space<hbm>> -> memref<64x128xf32, #tpu.memory_space<hbm>>
      tpu.enqueue_dma source(%dma_start3A_192 : memref<64x128xf32, #tpu.memory_space<hbm>>) target(%dma_start3A_190 : memref<64x128xf32, #tpu.memory_space<vmem>>) target_semaphore(%dma_start3A_186 : memref<!tpu.dma_semaphore, #tpu.memory_space<semaphore_mem>>)
    } else {
    }
    %ge3A_150 = arith.constant 7811 : i32
    %ge3A_151 = arith.cmpi sge, %shift_right_arithmetic3A_144, %ge3A_150 : i32
    %convert_element_type3A_152 = arith.extui %ge3A_151 : i1 to i32
    %cond3A_153 = arith.constant 0 : i32
    %cond3A_154 = arith.cmpi ne, %convert_element_type3A_152, %cond3A_153 : i32
    scf.if %cond3A_154 {
      %sub3A = arith.constant 7811 : i32
      %sub3A_176 = arith.subi %shift_right_arithmetic3A_144, %sub3A : i32
      %mul3A_177 = arith.constant 128 : i32
      %mul3A_178 = arith.muli %sub3A_176, %mul3A_177 : i32
      %multiple_of3A = tpu.assume_multiple %mul3A_178, 128 : i32
      %dma_start3A = arith.constant 9 : i32
      %dma_start3A_179 = arith.constant 9 : i32
      %dma_start3A_180 = arith.constant 0 : i32
      %dma_start3A_181 = arith.constant 0 : i32
      %dma_start3A_182 = tpu.memref_slice %arg8[%dma_start3A, %dma_start3A_180, %dma_start3A_181] : memref<11x64x128xf32, #tpu.memory_space<vmem>> -> memref<1x64x128xf32, #tpu.memory_space<vmem>>
      %dma_start3A_183 = tpu.memref_squeeze %dma_start3A_182 : memref<1x64x128xf32, #tpu.memory_space<vmem>> -> memref<64x128xf32, #tpu.memory_space<vmem>>
      %dma_start3A_184 = arith.constant 0 : i32
      %dma_start3A_185 = tpu.memref_slice %arg3[%dma_start3A_184, %multiple_of3A] : memref<64x256xf32, #tpu.memory_space<hbm>> -> memref<64x128xf32, #tpu.memory_space<hbm>>
      %dma_start3A_186 = tpu.memref_slice %arg9[%dma_start3A_179] : memref<11x!tpu.dma_semaphore, #tpu.memory_space<semaphore_mem>> -> memref<1x!tpu.dma_semaphore, #tpu.memory_space<semaphore_mem>>
      %dma_start3A_187 = tpu.memref_squeeze %dma_start3A_186 : memref<1x!tpu.dma_semaphore, #tpu.memory_space<semaphore_mem>> -> memref<!tpu.dma_semaphore, #tpu.memory_space<semaphore_mem>>
      %dma_start3A_188 = arith.constant 0 : i32
      %dma_start3A_189 = arith.constant 0 : i32
      %dma_start3A_190 = tpu.memref_slice %arg8[%dma_start3A, %dma_start3A_188, %dma_start3A_189] : memref<11x64x128xf32, #tpu.memory_space<vmem>> -> memref<1x64x128xf32, #tpu.memory_space<vmem>>
      %dma_start3A_191 = tpu.memref_squeeze %dma_start3A_190 : memref<1x64x128xf32, #tpu.memory_space<vmem>> -> memref<64x128xf32, #tpu.memory_space<vmem>>
      %dma_start3A_192 = arith.constant 0 : i32
      %dma_start3A_193 = tpu.memref_slice %arg3[%dma_start3A_192, %multiple_of3A] : memref<64x256xf32, #tpu.memory_space<hbm>> -> memref<64x128xf32, #tpu.memory_space<hbm>>
      tpu.enqueue_dma source(%dma_start3A_193 : memref<64x128xf32, #tpu.memory_space<hbm>>) target(%dma_start3A_191 : memref<64x128xf32, #tpu.memory_space<vmem>>) target_semaphore(%dma_start3A_187 : memref<!tpu.dma_semaphore, #tpu.memory_space<semaphore_mem>>)
    } else {
    }
    %get3A_155 = arith.constant 10 : index
    %get3A_156 = tpu.vector_load %arg6[%get3A_155] {strides = array<i32>} : memref<528xi32, #tpu.memory_space<vmem>>, vector<16xi32>,
    %slice3A_157 = vector.extract_strided_slice %get3A_156 {offsets = [0], sizes = [1], strides = [1]} : vector<16xi32> to vector<1xi32>
    %squeeze3A_158 = vector.extract %slice3A_157[0] : i32 from vector<1xi32>
    %shift_right_arithmetic3A_159 = arith.constant 7 : i32
    %shift_right_arithmetic3A_160 = arith.shrsi %squeeze3A_158, %shift_right_arithmetic3A_159 : i32
    %lt3A_161 = arith.constant 7811 : i32
    %lt3A_162 = arith.cmpi slt, %shift_right_arithmetic3A_160, %lt3A_161 : i32
    %convert_element_type3A_163 = arith.extui %lt3A_162 : i1 to i32
    %cond3A_164 = arith.constant 0 : i32
    %cond3A_165 = arith.cmpi ne, %convert_element_type3A_163, %cond3A_164 : i32
    scf.if %cond3A_165 {
      %mul3A_176 = arith.constant 128 : i32
      %mul3A_177 = arith.muli %shift_right_arithmetic3A_160, %mul3A_176 : i32
      %multiple_of3A = tpu.assume_multiple %mul3A_177, 128 : i32
      %dma_start3A = arith.constant 10 : i32
      %dma_start3A_178 = arith.constant 10 : i32
      %dma_start3A_179 = arith.constant 0 : i32
      %dma_start3A_180 = arith.constant 0 : i32
      %dma_start3A_181 = tpu.memref_slice %arg8[%dma_start3A, %dma_start3A_179, %dma_start3A_180] : memref<11x64x128xf32, #tpu.memory_space<vmem>> -> memref<1x64x128xf32, #tpu.memory_space<vmem>>
      %dma_start3A_182 = tpu.memref_squeeze %dma_start3A_181 : memref<1x64x128xf32, #tpu.memory_space<vmem>> -> memref<64x128xf32, #tpu.memory_space<vmem>>
      %dma_start3A_183 = arith.constant 0 : i32
      %dma_start3A_184 = tpu.memref_slice %arg2[%dma_start3A_183, %multiple_of3A] : memref<64x1000000xf32, #tpu.memory_space<hbm>> -> memref<64x128xf32, #tpu.memory_space<hbm>>
      %dma_start3A_185 = tpu.memref_slice %arg9[%dma_start3A_178] : memref<11x!tpu.dma_semaphore, #tpu.memory_space<semaphore_mem>> -> memref<1x!tpu.dma_semaphore, #tpu.memory_space<semaphore_mem>>
      %dma_start3A_186 = tpu.memref_squeeze %dma_start3A_185 : memref<1x!tpu.dma_semaphore, #tpu.memory_space<semaphore_mem>> -> memref<!tpu.dma_semaphore, #tpu.memory_space<semaphore_mem>>
      %dma_start3A_187 = arith.constant 0 : i32
      %dma_start3A_188 = arith.constant 0 : i32
      %dma_start3A_189 = tpu.memref_slice %arg8[%dma_start3A, %dma_start3A_187, %dma_start3A_188] : memref<11x64x128xf32, #tpu.memory_space<vmem>> -> memref<1x64x128xf32, #tpu.memory_space<vmem>>
      %dma_start3A_190 = tpu.memref_squeeze %dma_start3A_189 : memref<1x64x128xf32, #tpu.memory_space<vmem>> -> memref<64x128xf32, #tpu.memory_space<vmem>>
      %dma_start3A_191 = arith.constant 0 : i32
      %dma_start3A_192 = tpu.memref_slice %arg2[%dma_start3A_191, %multiple_of3A] : memref<64x1000000xf32, #tpu.memory_space<hbm>> -> memref<64x128xf32, #tpu.memory_space<hbm>>
      tpu.enqueue_dma source(%dma_start3A_192 : memref<64x128xf32, #tpu.memory_space<hbm>>) target(%dma_start3A_190 : memref<64x128xf32, #tpu.memory_space<vmem>>) target_semaphore(%dma_start3A_186 : memref<!tpu.dma_semaphore, #tpu.memory_space<semaphore_mem>>)
    } else {
    }
    %ge3A_166 = arith.constant 7811 : i32
    %ge3A_167 = arith.cmpi sge, %shift_right_arithmetic3A_160, %ge3A_166 : i32
    %convert_element_type3A_168 = arith.extui %ge3A_167 : i1 to i32
    %cond3A_169 = arith.constant 0 : i32
    %cond3A_170 = arith.cmpi ne, %convert_element_type3A_168, %cond3A_169 : i32
    scf.if %cond3A_170 {
      %sub3A = arith.constant 7811 : i32
      %sub3A_176 = arith.subi %shift_right_arithmetic3A_160, %sub3A : i32
      %mul3A_177 = arith.constant 128 : i32
      %mul3A_178 = arith.muli %sub3A_176, %mul3A_177 : i32
      %multiple_of3A = tpu.assume_multiple %mul3A_178, 128 : i32
      %dma_start3A = arith.constant 10 : i32
      %dma_start3A_179 = arith.constant 10 : i32
      %dma_start3A_180 = arith.constant 0 : i32
      %dma_start3A_181 = arith.constant 0 : i32
      %dma_start3A_182 = tpu.memref_slice %arg8[%dma_start3A, %dma_start3A_180, %dma_start3A_181] : memref<11x64x128xf32, #tpu.memory_space<vmem>> -> memref<1x64x128xf32, #tpu.memory_space<vmem>>
      %dma_start3A_183 = tpu.memref_squeeze %dma_start3A_182 : memref<1x64x128xf32, #tpu.memory_space<vmem>> -> memref<64x128xf32, #tpu.memory_space<vmem>>
      %dma_start3A_184 = arith.constant 0 : i32
      %dma_start3A_185 = tpu.memref_slice %arg3[%dma_start3A_184, %multiple_of3A] : memref<64x256xf32, #tpu.memory_space<hbm>> -> memref<64x128xf32, #tpu.memory_space<hbm>>
      %dma_start3A_186 = tpu.memref_slice %arg9[%dma_start3A_179] : memref<11x!tpu.dma_semaphore, #tpu.memory_space<semaphore_mem>> -> memref<1x!tpu.dma_semaphore, #tpu.memory_space<semaphore_mem>>
      %dma_start3A_187 = tpu.memref_squeeze %dma_start3A_186 : memref<1x!tpu.dma_semaphore, #tpu.memory_space<semaphore_mem>> -> memref<!tpu.dma_semaphore, #tpu.memory_space<semaphore_mem>>
      %dma_start3A_188 = arith.constant 0 : i32
      %dma_start3A_189 = arith.constant 0 : i32
      %dma_start3A_190 = tpu.memref_slice %arg8[%dma_start3A, %dma_start3A_188, %dma_start3A_189] : memref<11x64x128xf32, #tpu.memory_space<vmem>> -> memref<1x64x128xf32, #tpu.memory_space<vmem>>
      %dma_start3A_191 = tpu.memref_squeeze %dma_start3A_190 : memref<1x64x128xf32, #tpu.memory_space<vmem>> -> memref<64x128xf32, #tpu.memory_space<vmem>>
      %dma_start3A_192 = arith.constant 0 : i32
      %dma_start3A_193 = tpu.memref_slice %arg3[%dma_start3A_192, %multiple_of3A] : memref<64x256xf32, #tpu.memory_space<hbm>> -> memref<64x128xf32, #tpu.memory_space<hbm>>
      tpu.enqueue_dma source(%dma_start3A_193 : memref<64x128xf32, #tpu.memory_space<hbm>>) target(%dma_start3A_191 : memref<64x128xf32, #tpu.memory_space<vmem>>) target_semaphore(%dma_start3A_187 : memref<!tpu.dma_semaphore, #tpu.memory_space<semaphore_mem>>)
    } else {
    }
    %scan3A = arith.constant 0 : i32
    %scan3A_171 = arith.constant 0 : i32
    %scan3A_172 = arith.constant 512 : i32
    %scan3A_173 = arith.addi %scan3A_171, %scan3A_172 : i32
    %scan3A_174 = arith.constant 1 : i32
    scf.for %scan3A_176 = %scan3A_171 to %scan3A_173 step %scan3A_174  : i32 {
      %rem3A = arith.constant 11 : i32
      %rem3A_177 = arith.remsi %scan3A_176, %rem3A : i32
      %dma_wait3A = arith.constant 0 : i32
      %dma_wait3A_178 = arith.constant 0 : i32
      %dma_wait3A_179 = tpu.memref_slice %arg8[%rem3A_177, %dma_wait3A, %dma_wait3A_178] : memref<11x64x128xf32, #tpu.memory_space<vmem>> -> memref<1x64x128xf32, #tpu.memory_space<vmem>>
      %dma_wait3A_180 = tpu.memref_squeeze %dma_wait3A_179 : memref<1x64x128xf32, #tpu.memory_space<vmem>> -> memref<64x128xf32, #tpu.memory_space<vmem>>
      %dma_wait3A_181 = arith.constant 0 : i32
      %dma_wait3A_182 = arith.constant 0 : i32
      %dma_wait3A_183 = tpu.memref_slice %arg2[%dma_wait3A_181, %dma_wait3A_182] : memref<64x1000000xf32, #tpu.memory_space<hbm>> -> memref<64x128xf32, #tpu.memory_space<hbm>>
      %dma_wait3A_184 = tpu.memref_slice %arg9[%rem3A_177] : memref<11x!tpu.dma_semaphore, #tpu.memory_space<semaphore_mem>> -> memref<1x!tpu.dma_semaphore, #tpu.memory_space<semaphore_mem>>
      %dma_wait3A_185 = tpu.memref_squeeze %dma_wait3A_184 : memref<1x!tpu.dma_semaphore, #tpu.memory_space<semaphore_mem>> -> memref<!tpu.dma_semaphore, #tpu.memory_space<semaphore_mem>>
      %dma_wait3A_186 = arith.constant 0 : i32
      %dma_wait3A_187 = arith.constant 0 : i32
      %dma_wait3A_188 = tpu.memref_slice %arg8[%rem3A_177, %dma_wait3A_186, %dma_wait3A_187] : memref<11x64x128xf32, #tpu.memory_space<vmem>> -> memref<1x64x128xf32, #tpu.memory_space<vmem>>
      %dma_wait3A_189 = tpu.memref_squeeze %dma_wait3A_188 : memref<1x64x128xf32, #tpu.memory_space<vmem>> -> memref<64x128xf32, #tpu.memory_space<vmem>>
      %dma_wait3A_190 = arith.constant 0 : i32
      %dma_wait3A_191 = arith.constant 0 : i32
      %dma_wait3A_192 = tpu.memref_slice %arg2[%dma_wait3A_190, %dma_wait3A_191] : memref<64x1000000xf32, #tpu.memory_space<hbm>> -> memref<64x128xf32, #tpu.memory_space<hbm>>
      tpu.wait_dma2 semaphore(%dma_wait3A_185 : memref<!tpu.dma_semaphore, #tpu.memory_space<semaphore_mem>>) src(%dma_wait3A_192 : memref<64x128xf32, #tpu.memory_space<hbm>>) dst(%dma_wait3A_189 : memref<64x128xf32, #tpu.memory_space<vmem>>)
      %get3A_193 = arith.index_cast %scan3A_176 : i32 to index
      %get3A_194 = tpu.vector_load %arg6[%get3A_193] {strides = array<i32>} : memref<528xi32, #tpu.memory_space<vmem>>, vector<16xi32>,
      %slice3A_195 = vector.extract_strided_slice %get3A_194 {offsets = [0], sizes = [1], strides = [1]} : vector<16xi32> to vector<1xi32>
      %squeeze3A_196 = vector.extract %slice3A_195[0] : i32 from vector<1xi32>
      %and3A = arith.constant 127 : i32
      %and3A_197 = arith.andi %squeeze3A_196, %and3A : i32
      %broadcast_in_dim3A = vector.broadcast %and3A_197 : i32 to vector<16xi32>
      %add3A_198 = arith.constant 0 : i32
      %add3A_199 = vector.broadcast %add3A_198 : i32 to vector<16xi32>
      %add3A_200 = arith.addi %iota3A, %add3A_199 : vector<16xi32>
      %gather3A = arith.constant 0 : i32
      %gather3A_201 = arith.constant 0 : i32
      %gather3A_202 = tpu.memref_slice %arg8[%rem3A_177, %gather3A, %gather3A_201] : memref<11x64x128xf32, #tpu.memory_space<vmem>> -> memref<1x64x128xf32, #tpu.memory_space<vmem>>
      %gather3A_203 = tpu.memref_squeeze %gather3A_202 : memref<1x64x128xf32, #tpu.memory_space<vmem>> -> memref<64x128xf32, #tpu.memory_space<vmem>>
      %gather3A_204 = tpu.vector_load_idx %gather3A_203[%add3A_200, %broadcast_in_dim3A] : memref<64x128xf32, #tpu.memory_space<vmem>>[vector<16xi32>, vector<16xi32>], vector<16xf32>,
      %add3A_205 = arith.constant 0 : i32
      %add3A_206 = vector.broadcast %add3A_205 : i32 to vector<16xi32>
      %add3A_207 = arith.addi %iota3A, %add3A_206 : vector<16xi32>
      %broadcast_in_dim3A_208 = vector.broadcast %scan3A_176 : i32 to vector<16xi32>
      tpu.vector_store_idx %arg7[%add3A_207, %broadcast_in_dim3A_208], %gather3A_204 : memref<64x512xf32, #tpu.memory_space<vmem>>[vector<16xi32>, vector<16xi32>], vector<16xf32>,
      %add3A_209 = arith.constant 16 : i32
      %add3A_210 = vector.broadcast %add3A_209 : i32 to vector<16xi32>
      %add3A_211 = arith.addi %iota3A, %add3A_210 : vector<16xi32>
      %gather3A_212 = arith.constant 0 : i32
      %gather3A_213 = arith.constant 0 : i32
      %gather3A_214 = tpu.memref_slice %arg8[%rem3A_177, %gather3A_212, %gather3A_213] : memref<11x64x128xf32, #tpu.memory_space<vmem>> -> memref<1x64x128xf32, #tpu.memory_space<vmem>>
      %gather3A_215 = tpu.memref_squeeze %gather3A_214 : memref<1x64x128xf32, #tpu.memory_space<vmem>> -> memref<64x128xf32, #tpu.memory_space<vmem>>
      %gather3A_216 = tpu.vector_load_idx %gather3A_215[%add3A_211, %broadcast_in_dim3A] : memref<64x128xf32, #tpu.memory_space<vmem>>[vector<16xi32>, vector<16xi32>], vector<16xf32>,
      %add3A_217 = arith.constant 16 : i32
      %add3A_218 = vector.broadcast %add3A_217 : i32 to vector<16xi32>
      %add3A_219 = arith.addi %iota3A, %add3A_218 : vector<16xi32>
      %broadcast_in_dim3A_220 = vector.broadcast %scan3A_176 : i32 to vector<16xi32>
      tpu.vector_store_idx %arg7[%add3A_219, %broadcast_in_dim3A_220], %gather3A_216 : memref<64x512xf32, #tpu.memory_space<vmem>>[vector<16xi32>, vector<16xi32>], vector<16xf32>,
      %add3A_221 = arith.constant 32 : i32
      %add3A_222 = vector.broadcast %add3A_221 : i32 to vector<16xi32>
      %add3A_223 = arith.addi %iota3A, %add3A_222 : vector<16xi32>
      %gather3A_224 = arith.constant 0 : i32
      %gather3A_225 = arith.constant 0 : i32
      %gather3A_226 = tpu.memref_slice %arg8[%rem3A_177, %gather3A_224, %gather3A_225] : memref<11x64x128xf32, #tpu.memory_space<vmem>> -> memref<1x64x128xf32, #tpu.memory_space<vmem>>
      %gather3A_227 = tpu.memref_squeeze %gather3A_226 : memref<1x64x128xf32, #tpu.memory_space<vmem>> -> memref<64x128xf32, #tpu.memory_space<vmem>>
      %gather3A_228 = tpu.vector_load_idx %gather3A_227[%add3A_223, %broadcast_in_dim3A] : memref<64x128xf32, #tpu.memory_space<vmem>>[vector<16xi32>, vector<16xi32>], vector<16xf32>,
      %add3A_229 = arith.constant 32 : i32
      %add3A_230 = vector.broadcast %add3A_229 : i32 to vector<16xi32>
      %add3A_231 = arith.addi %iota3A, %add3A_230 : vector<16xi32>
      %broadcast_in_dim3A_232 = vector.broadcast %scan3A_176 : i32 to vector<16xi32>
      tpu.vector_store_idx %arg7[%add3A_231, %broadcast_in_dim3A_232], %gather3A_228 : memref<64x512xf32, #tpu.memory_space<vmem>>[vector<16xi32>, vector<16xi32>], vector<16xf32>,
      %add3A_233 = arith.constant 48 : i32
      %add3A_234 = vector.broadcast %add3A_233 : i32 to vector<16xi32>
      %add3A_235 = arith.addi %iota3A, %add3A_234 : vector<16xi32>
      %gather3A_236 = arith.constant 0 : i32
      %gather3A_237 = arith.constant 0 : i32
      %gather3A_238 = tpu.memref_slice %arg8[%rem3A_177, %gather3A_236, %gather3A_237] : memref<11x64x128xf32, #tpu.memory_space<vmem>> -> memref<1x64x128xf32, #tpu.memory_space<vmem>>
      %gather3A_239 = tpu.memref_squeeze %gather3A_238 : memref<1x64x128xf32, #tpu.memory_space<vmem>> -> memref<64x128xf32, #tpu.memory_space<vmem>>
      %gather3A_240 = tpu.vector_load_idx %gather3A_239[%add3A_235, %broadcast_in_dim3A] : memref<64x128xf32, #tpu.memory_space<vmem>>[vector<16xi32>, vector<16xi32>], vector<16xf32>,
      %add3A_241 = arith.constant 48 : i32
      %add3A_242 = vector.broadcast %add3A_241 : i32 to vector<16xi32>
      %add3A_243 = arith.addi %iota3A, %add3A_242 : vector<16xi32>
      %broadcast_in_dim3A_244 = vector.broadcast %scan3A_176 : i32 to vector<16xi32>
      tpu.vector_store_idx %arg7[%add3A_243, %broadcast_in_dim3A_244], %gather3A_240 : memref<64x512xf32, #tpu.memory_space<vmem>>[vector<16xi32>, vector<16xi32>], vector<16xf32>,
      %lt3A_245 = arith.constant 501 : i32
      %lt3A_246 = arith.cmpi slt, %scan3A_176, %lt3A_245 : i32
      %convert_element_type3A_247 = arith.extui %lt3A_246 : i1 to i32
      %cond3A_248 = arith.constant 0 : i32
      %cond3A_249 = arith.cmpi ne, %convert_element_type3A_247, %cond3A_248 : i32
      scf.if %cond3A_249 {
        %add3A_250 = arith.constant 11 : i32
        %add3A_251 = arith.addi %scan3A_176, %add3A_250 : i32
        %get3A_252 = arith.index_cast %add3A_251 : i32 to index
        %get3A_253 = tpu.vector_load %arg6[%get3A_252] {strides = array<i32>} : memref<528xi32, #tpu.memory_space<vmem>>, vector<16xi32>,
        %slice3A_254 = vector.extract_strided_slice %get3A_253 {offsets = [0], sizes = [1], strides = [1]} : vector<16xi32> to vector<1xi32>
        %squeeze3A_255 = vector.extract %slice3A_254[0] : i32 from vector<1xi32>
        %shift_right_arithmetic3A_256 = arith.constant 7 : i32
        %shift_right_arithmetic3A_257 = arith.shrsi %squeeze3A_255, %shift_right_arithmetic3A_256 : i32
        %lt3A_258 = arith.constant 7811 : i32
        %lt3A_259 = arith.cmpi slt, %shift_right_arithmetic3A_257, %lt3A_258 : i32
        %convert_element_type3A_260 = arith.extui %lt3A_259 : i1 to i32
        %cond3A_261 = arith.constant 0 : i32
        %cond3A_262 = arith.cmpi ne, %convert_element_type3A_260, %cond3A_261 : i32
        scf.if %cond3A_262 {
          %mul3A_268 = arith.constant 128 : i32
          %mul3A_269 = arith.muli %shift_right_arithmetic3A_257, %mul3A_268 : i32
          %multiple_of3A = tpu.assume_multiple %mul3A_269, 128 : i32
          %dma_start3A = arith.constant 0 : i32
          %dma_start3A_270 = arith.constant 0 : i32
          %dma_start3A_271 = tpu.memref_slice %arg8[%rem3A_177, %dma_start3A, %dma_start3A_270] : memref<11x64x128xf32, #tpu.memory_space<vmem>> -> memref<1x64x128xf32, #tpu.memory_space<vmem>>
          %dma_start3A_272 = tpu.memref_squeeze %dma_start3A_271 : memref<1x64x128xf32, #tpu.memory_space<vmem>> -> memref<64x128xf32, #tpu.memory_space<vmem>>
          %dma_start3A_273 = arith.constant 0 : i32
          %dma_start3A_274 = tpu.memref_slice %arg2[%dma_start3A_273, %multiple_of3A] : memref<64x1000000xf32, #tpu.memory_space<hbm>> -> memref<64x128xf32, #tpu.memory_space<hbm>>
          %dma_start3A_275 = tpu.memref_slice %arg9[%rem3A_177] : memref<11x!tpu.dma_semaphore, #tpu.memory_space<semaphore_mem>> -> memref<1x!tpu.dma_semaphore, #tpu.memory_space<semaphore_mem>>
          %dma_start3A_276 = tpu.memref_squeeze %dma_start3A_275 : memref<1x!tpu.dma_semaphore, #tpu.memory_space<semaphore_mem>> -> memref<!tpu.dma_semaphore, #tpu.memory_space<semaphore_mem>>
          %dma_start3A_277 = arith.constant 0 : i32
          %dma_start3A_278 = arith.constant 0 : i32
          %dma_start3A_279 = tpu.memref_slice %arg8[%rem3A_177, %dma_start3A_277, %dma_start3A_278] : memref<11x64x128xf32, #tpu.memory_space<vmem>> -> memref<1x64x128xf32, #tpu.memory_space<vmem>>
          %dma_start3A_280 = tpu.memref_squeeze %dma_start3A_279 : memref<1x64x128xf32, #tpu.memory_space<vmem>> -> memref<64x128xf32, #tpu.memory_space<vmem>>
          %dma_start3A_281 = arith.constant 0 : i32
          %dma_start3A_282 = tpu.memref_slice %arg2[%dma_start3A_281, %multiple_of3A] : memref<64x1000000xf32, #tpu.memory_space<hbm>> -> memref<64x128xf32, #tpu.memory_space<hbm>>
          tpu.enqueue_dma source(%dma_start3A_282 : memref<64x128xf32, #tpu.memory_space<hbm>>) target(%dma_start3A_280 : memref<64x128xf32, #tpu.memory_space<vmem>>) target_semaphore(%dma_start3A_276 : memref<!tpu.dma_semaphore, #tpu.memory_space<semaphore_mem>>)
        } else {
        }
        %ge3A_263 = arith.constant 7811 : i32
        %ge3A_264 = arith.cmpi sge, %shift_right_arithmetic3A_257, %ge3A_263 : i32
        %convert_element_type3A_265 = arith.extui %ge3A_264 : i1 to i32
        %cond3A_266 = arith.constant 0 : i32
        %cond3A_267 = arith.cmpi ne, %convert_element_type3A_265, %cond3A_266 : i32
        scf.if %cond3A_267 {
          %sub3A = arith.constant 7811 : i32
          %sub3A_268 = arith.subi %shift_right_arithmetic3A_257, %sub3A : i32
          %mul3A_269 = arith.constant 128 : i32
          %mul3A_270 = arith.muli %sub3A_268, %mul3A_269 : i32
          %multiple_of3A = tpu.assume_multiple %mul3A_270, 128 : i32
          %dma_start3A = arith.constant 0 : i32
          %dma_start3A_271 = arith.constant 0 : i32
          %dma_start3A_272 = tpu.memref_slice %arg8[%rem3A_177, %dma_start3A, %dma_start3A_271] : memref<11x64x128xf32, #tpu.memory_space<vmem>> -> memref<1x64x128xf32, #tpu.memory_space<vmem>>
          %dma_start3A_273 = tpu.memref_squeeze %dma_start3A_272 : memref<1x64x128xf32, #tpu.memory_space<vmem>> -> memref<64x128xf32, #tpu.memory_space<vmem>>
          %dma_start3A_274 = arith.constant 0 : i32
          %dma_start3A_275 = tpu.memref_slice %arg3[%dma_start3A_274, %multiple_of3A] : memref<64x256xf32, #tpu.memory_space<hbm>> -> memref<64x128xf32, #tpu.memory_space<hbm>>
          %dma_start3A_276 = tpu.memref_slice %arg9[%rem3A_177] : memref<11x!tpu.dma_semaphore, #tpu.memory_space<semaphore_mem>> -> memref<1x!tpu.dma_semaphore, #tpu.memory_space<semaphore_mem>>
          %dma_start3A_277 = tpu.memref_squeeze %dma_start3A_276 : memref<1x!tpu.dma_semaphore, #tpu.memory_space<semaphore_mem>> -> memref<!tpu.dma_semaphore, #tpu.memory_space<semaphore_mem>>
          %dma_start3A_278 = arith.constant 0 : i32
          %dma_start3A_279 = arith.constant 0 : i32
          %dma_start3A_280 = tpu.memref_slice %arg8[%rem3A_177, %dma_start3A_278, %dma_start3A_279] : memref<11x64x128xf32, #tpu.memory_space<vmem>> -> memref<1x64x128xf32, #tpu.memory_space<vmem>>
          %dma_start3A_281 = tpu.memref_squeeze %dma_start3A_280 : memref<1x64x128xf32, #tpu.memory_space<vmem>> -> memref<64x128xf32, #tpu.memory_space<vmem>>
          %dma_start3A_282 = arith.constant 0 : i32
          %dma_start3A_283 = tpu.memref_slice %arg3[%dma_start3A_282, %multiple_of3A] : memref<64x256xf32, #tpu.memory_space<hbm>> -> memref<64x128xf32, #tpu.memory_space<hbm>>
          tpu.enqueue_dma source(%dma_start3A_283 : memref<64x128xf32, #tpu.memory_space<hbm>>) target(%dma_start3A_281 : memref<64x128xf32, #tpu.memory_space<vmem>>) target_semaphore(%dma_start3A_277 : memref<!tpu.dma_semaphore, #tpu.memory_space<semaphore_mem>>)
        } else {
        }
      } else {
      }
    }
    %scan3A_175 = arith.constant 512 : i32
    "tpu.region"() ({
      %run_scoped3A = tpu.sem_alloc : memref<!tpu.dma_semaphore, #tpu.memory_space<semaphore_mem>>
      %dma_start3A = arith.constant 0 : i32
      %dma_start3A_176 = tpu.memref_slice %arg5[%dma_start3A, %mul3A_2] : memref<64x16384xf32, #tpu.memory_space<hbm>> -> memref<64x512xf32, #tpu.memory_space<hbm>>
      %dma_start3A_177 = arith.constant 0 : i32
      %dma_start3A_178 = tpu.memref_slice %arg5[%dma_start3A_177, %mul3A_2] : memref<64x16384xf32, #tpu.memory_space<hbm>> -> memref<64x512xf32, #tpu.memory_space<hbm>>
      tpu.enqueue_dma source(%arg7 : memref<64x512xf32, #tpu.memory_space<vmem>>) target(%dma_start3A_178 : memref<64x512xf32, #tpu.memory_space<hbm>>) target_semaphore(%run_scoped3A : memref<!tpu.dma_semaphore, #tpu.memory_space<semaphore_mem>>)
      %dma_wait3A = arith.constant 0 : i32
      %dma_wait3A_179 = tpu.memref_slice %arg5[%dma_wait3A, %mul3A_2] : memref<64x16384xf32, #tpu.memory_space<hbm>> -> memref<64x512xf32, #tpu.memory_space<hbm>>
      %dma_wait3A_180 = arith.constant 0 : i32
      %dma_wait3A_181 = tpu.memref_slice %arg5[%dma_wait3A_180, %mul3A_2] : memref<64x16384xf32, #tpu.memory_space<hbm>> -> memref<64x512xf32, #tpu.memory_space<hbm>>
      tpu.wait_dma2 semaphore(%run_scoped3A : memref<!tpu.dma_semaphore, #tpu.memory_space<semaphore_mem>>) src(%arg7 : memref<64x512xf32, #tpu.memory_space<vmem>>) dst(%dma_wait3A_181 : memref<64x512xf32, #tpu.memory_space<hbm>>)
      tpu.yield
    }) : () -> ()
    return
  }
}

</mosaic_0001>

<sc_bundles>
// kernel: kernel.3.cloned.1.call-start
scs
__scs_entry_jumppad:
0x0: {  	(pc) =	sbr.rel $0x88, $3  }
0x1: {  	(tag) =	ssettag $0x0;
	lr =	simm.s32 $0x1  }
0x2: {  	[smem:$0x3F9F] =	sst lr;
	_ =	strace $0xD0000000  }
0x3: {  	_ = 	snop  }
0x4: {  	_ = 	snop  }
0x5: {  	_ = 	snop  }
0x6: {  	_ = 	snop  }
0x7: {  	_ = 	snop  }
__scs_overlays_trampoline_lowered:
0x8: {  	[smem:$0x3FAE] =	sst s0  }
0x9: {  	[smem:$0x3FAF] =	sst s1  }
0xa: {  	[smem:$0x3FB0] =	sst s2  }
0xb: {  	[smem:$0x3FB1] =	sst s3  }
0xc: {  	[smem:$0x3FB2] =	sst s4  }
0xd: {  	[smem:$0x3FB3] =	sst s5  }
0xe: {  	[smem:$0x3FB4] =	sst s6  }
0xf: {  	[smem:$0x3FB5] =	sst s7  }
0x10: {  	[smem:$0x3FB6] =	sst s8  }
0x11: {  	[smem:$0x3FB7] =	sst s9;
	s0 =	simm.s32 @!p0 $0x0  }
0x12: {  	s1 =	sld [smem:$0x3F9D];
	s0 =	simm.s32 @p0 $0x1  }
0x13: {  	[smem:$0x3FB8] =	sst s0;
	s0 =	simm.s32 @!p1 $0x0  }
0x14: {  	s2 =	sld [smem:$0x3F9C];
	s0 =	simm.s32 @p1 $0x1  }
0x15: {  	[smem:$0x3FB9] =	sst s0;
	s0 =	simm.s32 @!p2 $0x0  }
0x16: {  	s3 =	sld [smem:$0x3FDB];
	s0 =	simm.s32 @p2 $0x1  }
0x17: {  	s4 =	simm.s32 $0x1BF5;
	[smem:$0x3FBB] =	sst s0  }
0x18: {  	s0 =	sld [smem:$0x3F9E];
	_ =	swait.ge [sflag:s4], $0x0  }
0x19: {  	s7 =	sld [smem:$0x3F9F]  }
0x1a: {  	s8 =	sadd.s32 $0xFFFFE003, lr  }
0x1b: {  	s9 =	sadd.s32 $0xFFFFFEF7, lr;
	s5 =	simm.s32 $0xFFFFFFFF;
	p2 =	slt.u32 s8, $0xFFFFF086  }
0x1c: {  	p1 =	slt.u32 s9, $0xF7A;
	s5 =	simm.s32 @!p2 $0x0  }
0x1d: {  	s5 =	simm.s32 @p1 $0x1;
	p0 =	seq.s32 s7, s2  }
0x1e: {  	s7 =	smul.u32 @!p0 $0xF7A, s2;
	p2 =	seq.s32 @!p0 s5, $0x0  }
0x1f: {  	s9 =	smul.u32 $0xF7A, s1;
	s8 =	simm.s32 @!p0 $0x1BF5;
	p2 =	por !p2, p0  }
0x20: {  	[sflag:s8] =	ssyncset.s32 @!p0 $0xFFFFF086;
	s6 =	sadd.s32 @!p0 s3, s7;
	s7 =	simm.s32 @!p0 $0x108  }
0x21: {  	s3 =	sadd.s32 s3, s9;
	s6 =	sadd.s32 @!p0 $0x88, s6;
	s7 =	simm.s32 @p2 $0x1082  }
0x22: {  	[simem:s7], [sflag:s8] =	dma.local @!p0 [hbm:s6], $0xF7A  }
0x23: {  	s9 =	sor.u32 $0xD0000000, s2;
	s6 =	simm.s32 $0x108;
	_ =	swait.ge @!p0 [sflag:s8], $0x0  }
0x24: {  	s3 =	sadd.s32 $0x88, s3;
	s6 =	simm.s32 @!p1 $0x1082;
	[sflag:s4] =	ssyncset.s32 $0xFFFFF086  }
0x25: {  	[simem:s6], [sflag:s4] =	dma.local [hbm:s3], $0xF7A  }
0x26: {  	[smem:$0x3F9F] =	sst s1;
	(tag) =	ssettag s2;
	_ =	strace s9  }
0x27: {  	s1 =	sld [smem:$0x3FAF]  }
0x28: {  	s2 =	sld [smem:$0x3FB0]  }
0x29: {  	s4 =	sld [smem:$0x3FB2]  }
0x2a: {  	p0 =	seq.s32 s5, $0x0;
	s5 =	sld [smem:$0x3FB3]  }
0x2b: {  	s6 =	sld [smem:$0x3FB4]  }
0x2c: {  	s7 =	sld [smem:$0x3FB5]  }
0x2d: {  	s3 =	simm.s32 $0x108;
	s8 =	sld [smem:$0x3FB6]  }
0x2e: {  	s3 =	simm.s32 @!p0 $0x1082;
	s9 =	sld [smem:$0x3FB7]  }
0x2f: {  	lr =	sadd.s32 s0, s3;
	s0 =	sld [smem:$0x3FAE]  }
0x30: {  	s3 =	sld [smem:$0x3FB1]  }
0x31: {  	[smem:$0x3FBA] =	sst s10  }
0x32: {  	s10 =	sld [smem:$0x3FB8];
	_ =	sdelay $0x3  }
0x33: {  	p0 =	seq.s32 s10, $0x1;
	s10 =	sld [smem:$0x3FBA];
	_ =	sdelay $0x3  }
0x34: {  	[smem:$0x3FBA] =	sst s10  }
0x35: {  	s10 =	sld [smem:$0x3FB9];
	_ =	sdelay $0x3  }
0x36: {  	p1 =	seq.s32 s10, $0x1;
	s10 =	sld [smem:$0x3FBA];
	_ =	sdelay $0x3  }
0x37: {  	[smem:$0x3FBA] =	sst s10  }
0x38: {  	s10 =	sld [smem:$0x3FBB]  }
0x39: {  	_ = 	snop;
	(pc) =	sbr.ind lr, $3  }
0x3a: {  	_ = 	snop  }
0x3b: {  	_ = 	snop  }
0x3c: {  	p2 =	seq.s32 s10, $0x1;
	s10 =	sld [smem:$0x3FBA]  }
0x3d: {  	_ =	shalt  }
0x3e: {  	_ =	shalt  }
0x3f: {  	_ =	shalt  }
0x40: {  	_ =	shalt  }
0x41: {  	_ =	shalt  }
0x42: {  	_ =	shalt  }
0x43: {  	_ =	shalt  }
0x44: {  	_ =	shalt  }
0x45: {  	_ =	shalt  }
0x46: {  	_ =	shalt  }
0x47: {  	_ =	shalt  }
0x48: {  	_ =	shalt  }
0x49: {  	_ =	shalt  }
0x4a: {  	_ =	shalt  }
0x4b: {  	_ =	shalt  }
0x4c: {  	_ =	shalt  }
0x4d: {  	_ =	shalt  }
0x4e: {  	_ =	shalt  }
0x4f: {  	_ =	shalt  }
0x50: {  	_ =	shalt  }
0x51: {  	_ =	shalt  }
0x52: {  	_ =	shalt  }
0x53: {  	_ =	shalt  }
0x54: {  	_ =	shalt  }
0x55: {  	_ =	shalt  }
0x56: {  	_ =	shalt  }
0x57: {  	_ =	shalt  }
0x58: {  	_ =	shalt  }
0x59: {  	_ =	shalt  }
0x5a: {  	_ =	shalt  }
0x5b: {  	_ =	shalt  }
0x5c: {  	_ =	shalt  }
0x5d: {  	_ =	shalt  }
0x5e: {  	_ =	shalt  }
0x5f: {  	_ =	shalt  }
0x60: {  	_ =	shalt  }
0x61: {  	_ =	shalt  }
0x62: {  	_ =	shalt  }
0x63: {  	_ =	shalt  }
0x64: {  	_ =	shalt  }
0x65: {  	_ =	shalt  }
0x66: {  	_ =	shalt  }
0x67: {  	_ =	shalt  }
0x68: {  	_ =	shalt  }
0x69: {  	_ =	shalt  }
0x6a: {  	_ =	shalt  }
0x6b: {  	_ =	shalt  }
0x6c: {  	_ =	shalt  }
0x6d: {  	_ =	shalt  }
0x6e: {  	_ =	shalt  }
0x6f: {  	_ =	shalt  }
0x70: {  	_ =	shalt  }
0x71: {  	_ =	shalt  }
0x72: {  	_ =	shalt  }
0x73: {  	_ =	shalt  }
0x74: {  	_ =	shalt  }
0x75: {  	_ =	shalt  }
0x76: {  	_ =	shalt  }
0x77: {  	_ =	shalt  }
0x78: {  	_ =	shalt  }
0x79: {  	_ =	shalt  }
0x7a: {  	_ =	shalt  }
0x7b: {  	_ =	shalt  }
0x7c: {  	_ =	shalt  }
0x7d: {  	_ =	shalt  }
0x7e: {  	_ =	shalt  }
0x7f: {  	_ =	shalt  }
0x80: {  	_ =	shalt  }
0x81: {  	_ =	shalt  }
0x82: {  	_ =	shalt  }
0x83: {  	_ =	shalt  }
0x84: {  	_ =	shalt  }
0x85: {  	_ =	shalt  }
0x86: {  	_ =	shalt  }
0x87: {  	_ =	shalt  }
.Lfunc_end0:
.L_simem_size_0:
called_computation_lowered:
.L_overlay_start_0:
0x88: {  	s2 =	sld [smem:$0x3FD9]  }
0x89: {  	s3 =	sld [smem:$0x3FFE];
	_ =	sdelay $0x1  }
0x8a: {  	s1 =	srdreg.scid  }
0x8b: {  	s0 =	sand.u32 $0x1, s1  }
0x8c: {  	s17 =	sshll.u32 s0, $0xA;
	s2 =	sadd.s32 s3, s2  }
0x8d: {  	s2 =	sadd.s32 s2, s17  }
0x8e: {  	[smem:$0x3FC6] =	sst s2  }
0x8f: {  	_ = 	snop  }
0x90: {  	s2 =	sld [smem:$0x3FC9]  }
0x91: {  	s18 =	sld [smem:$0x3FC8]  }
0x92: {  	s4 =	sld [smem:$0x3FD0];
	(tm) =	ssettm $0x1  }
0x93: {  	s5 =	sld [smem:$0x3FFB];
	_ =	sdelay $0x3  }
0x94: {  	_ =	strace s5  }
0x95: {  	s5 =	sld [smem:$0x3FFC];
	_ =	sdelay $0x3  }
0x96: {  	_ =	strace s5  }
0x97: {  	s5 =	sld [smem:$0x3FFD];
	_ =	sdelay $0x3  }
0x98: {  	_ =	strace s5  }
0x99: {  	_ =	strace $0x8FFFFFFF  }
0x9a: {  	s19 =	sld [smem:$0x3FDB];
	_ =	sdelay $0x1  }
0x9b: {  	s6 =	simm.s32 $_scs_section_size  }
0x9c: {  	s7 =	simm.s32 $_size__tile_overlayer_lowered;
	s8 =	simm.s32 $_tile_overlayer_lowered  }
0x9d: {  	s22 =	simm.s32 $0x1BFF;
	s21 =	sshll.u32 s8, $0x1;
	s5 =	sadd.s32 s6, s19  }
0x9e: {  	s9 =	simm.s32 $0x0;
	s20 =	sshll.u32 s7, $0x1;
	s7 =	sadd.s32 s21, s5  }
0x9f: {  	[timem:s9], [sflag:s22] =	dma.local [hbm:s7], s20  }
0xa0: {  	_ =	swait.ge [sflag:s22], s20  }
0xa1: {  	s6 =	ssub.s32 $0x0, s20;
	[sflag:s22] =	ssyncset.done $0x0  }
0xa2: {  	[sflag:s22] =	ssyncadd.s32 s6;
	_ =	sdelay $0x1  }
0xa3: {  	s23 =	simm.s32 $0x1B8B  }
0xa4: {  	_ =	swait.ge [sflag:s23], $0x1  }
0xa5: {  	[sflag:s23] =	ssyncset.done $0x0  }
0xa6: {  	s25 =	simm.s32 $0x1B8E;
	s24 =	sld [smem:$0x3FFE];
	[sflag:s23] =	ssyncadd.s32 $0xFFFFFFFF  }
0xa7: {  	s26 =	simm.s32 $execute0_lowered;
	[smem:$0x3FD2] =	sst s25  }
0xa8: {  	s7 =	sshll.u32 s26, $0x1;
	_ =	strace $0x80000046;
	[dreg:$0x1] =	wrdreg $0xFFFFFFFF  }
0xa9: {  	s28 =	simm.s32 $_size_execute0_lowered;
	s5 =	sadd.s32 s5, s7;
	[dreg:$0x0] =	wrdreg $0x0  }
0xaa: {  	s7 =	sshll.u32 s28, $0x1;
	[dreg:$0x2] =	wrdreg s5  }
0xab: {  	[dreg:$0x3] =	wrdreg s7  }
0xac: {  	[dreg:$0x4] =	wrdreg $0xC0  }
0xad: {  	_ =	task [dreg:s9], $0x5FFFF  }
0xae: {  	[dreg:$0x1] =	wrdreg $0xFFFFFFFF  }
0xaf: {  	[dreg:$0x0] =	wrdreg $0x60  }
0xb0: {  	[dreg:$0x2] =	wrdreg s18  }
0xb1: {  	[dreg:$0x3] =	wrdreg s24  }
0xb2: {  	[dreg:$0x4] =	wrdreg s2  }
0xb3: {  	[dreg:$0x5] =	wrdreg s4  }
0xb4: {  	[dreg:$0x6] =	wrdreg $0x9  }
0xb5: {  	_ =	task.clear_ibuf [dreg:s9], $0x7FFFF;
	_ =	strace $0x90000046  }
0xb6: {  	s29 =	simm.s32 $0x9;
	_ =	strace $0x80000048  }
0xb7: {  	_ =	swait.ge [sflag:s29], $0x1  }
0xb8: {  	[sflag:s29] =	ssyncadd.s32 $0xFFFFFFFF  }
0xb9: {  	_ =	strace $0x90000048  }
0xba: {  	_ =	sfence  }
0xbb: {  	s30 =	sld [smem:$0x0];
	_ =	sdelay $0x2  }
0xbc: {  	s31 =	sshll.u32 s1, $0xD;
	s1 =	sshrl.u32 s1, $0x2  }
0xbd: {  	s3 =	sand.u32 $0x4000, s31;
	s1 =	sadd.s32 s1, s30  }
0xbe: {  	s0 =	sor.u32 s3, s0;
	s1 =	sshll.u32 s1, $0x11  }
0xbf: {  	s0 =	sor.u32 s1, s0  }
0xc0: {  	s0 =	sadd.s32 $0x8F2B, s0  }
0xc1: {  	[sflag:s0] =	ssyncadd.remote.s32 $0x1  }
0xc2: {  	_ =	sfence.sel $0xFFFF  }
0xc3: {  	[dreg:$0x0] =	wrdreg $0xFFFFFFFF;
	(pc) =	sbr.abs _section_cstart, $3  }
0xc4: {  	[dreg:$0x1] =	wrdreg $0xFFFFFFFF  }
0xc5: {  	_ =	task.clear_ibuf [dreg:s9], $0x2FFFF;
	_ =	strace $0x9FFFFFFF  }
0xc6: {  	(tm) =	ssettm $0x7FFFFFFF  }
0xc7: {  	_ =	shalt  }
tec
execute0_lowered:
.L_overlay_start_1:
0x0: {  	(tag) =	ssettag $0x1  }
0x1: {  	v0 =	vimm.s32 $0x1380;
	vm14 =	vcmask $0x300;
	vm13 =	vcmask $0x704  }
0x2: {  	vm12 =	vcmask $0xB08;
	vm11 =	vcmask $0xF0C;
	vm10 =	vcmask $0x1310  }
0x3: {  	vm9 =	vcmask $0x1714;
	vm8 =	vcmask $0x1B18;
	vm7 =	vcmask $0x1F1C  }
0x4: {  	vm6 =	vcmask $0x2320;
	vm5 =	vcmask $0x2724;
	vm4 =	vcmask $0x2B28  }
0x5: {  	vm3 =	vcmask $0x2F2C;
	v1 =	vlaneseq.u32;
	vm2 =	vcmask $0x3330  }
0x6: {  	vm1 =	vcmask $0x3734;
	vm0 =	vcmask $0x3B38;
	v3 =	vimm.s32 $0x3380  }
0x7: {  	v4 =	vimm.s32 $0x5380;
	v5 =	vimm.s32 $0x7380;
	v0 =	vsel vm14, $0x0, v0  }
0x8: {  	v3 =	vsel vm14, $0x2000, v3;
	v4 =	vsel vm14, $0x4000, v4;
	v5 =	vsel vm14, $0x6000, v5  }
0x9: {  	v0 =	vsel vm13, $0x80, v0;
	v3 =	vsel vm13, $0x2080, v3;
	v4 =	vsel vm13, $0x4080, v4  }
0xa: {  	v5 =	vsel vm13, $0x6080, v5;
	v0 =	vsel vm12, $0x100, v0;
	v3 =	vsel vm12, $0x2100, v3  }
0xb: {  	v4 =	vsel vm12, $0x4100, v4;
	v5 =	vsel vm12, $0x6100, v5;
	v0 =	vsel vm11, $0x180, v0  }
0xc: {  	v3 =	vsel vm11, $0x2180, v3;
	v4 =	vsel vm11, $0x4180, v4;
	v5 =	vsel vm11, $0x6180, v5  }
0xd: {  	v0 =	vsel vm10, $0x200, v0;
	v3 =	vsel vm10, $0x2200, v3;
	v4 =	vsel vm10, $0x4200, v4  }
0xe: {  	v5 =	vsel vm10, $0x6200, v5;
	v0 =	vsel vm9, $0x280, v0;
	v3 =	vsel vm9, $0x2280, v3  }
0xf: {  	v4 =	vsel vm9, $0x4280, v4;
	v5 =	vsel vm9, $0x6280, v5;
	v0 =	vsel vm8, $0x300, v0  }
0x10: {  	v3 =	vsel vm8, $0x2300, v3;
	v4 =	vsel vm8, $0x4300, v4;
	v5 =	vsel vm8, $0x6300, v5  }
0x11: {  	s0 =	rddreg [dreg:$0x0];
	v0 =	vsel vm7, $0x380, v0;
	v3 =	vsel vm7, $0x2380, v3;
	v4 =	vsel vm7, $0x4380, v4  }
0x12: {  	s4 =	rddreg [dreg:$0x1];
	v5 =	vsel vm7, $0x6380, v5;
	v0 =	vsel vm6, $0x1000, v0;
	v3 =	vsel vm6, $0x3000, v3  }
0x13: {  	s5 =	rddreg [dreg:$0x2];
	v4 =	vsel vm6, $0x5000, v4;
	v5 =	vsel vm6, $0x7000, v5;
	v0 =	vsel vm5, $0x1080, v0  }
0x14: {  	s6 =	rddreg [dreg:$0x3];
	v3 =	vsel vm5, $0x3080, v3;
	v4 =	vsel vm5, $0x5080, v4;
	v5 =	vsel vm5, $0x7080, v5  }
0x15: {  	s1 =	rddreg [dreg:$0x4];
	s7 =	srdreg.scid;
	v0 =	vsel vm4, $0x1100, v0;
	v3 =	vsel vm4, $0x3100, v3;
	v4 =	vsel vm4, $0x5100, v4  }
0x16: {  	s3 =	simm.s32 $0x0;
	s2 =	stileid.u32;
	s11 =	simm.s32 $0x20000;
	v5 =	vsel vm4, $0x7100, v5;
	v2 =	vsel vm3, $0x1180, v0;
	v0 =	vmul.u32 $0x80, v1  }
0x17: {  	s12 =	simm.s32 $0x0;
	s7 =	sand.u32 $0x1, s7;
	[smem:$0x7FF] =	sst s3;
	v3 =	vsel vm3, $0x3180, v3;
	v4 =	vsel vm3, $0x5180, v4;
	v5 =	vsel vm3, $0x7180, v5  }
0x18: {  	s8 =	sshll.u32 s2, $0xA;
	s4 =	sadd.s32 $0x400, s4;
	s9 =	sshll.u32 s7, $0x9;
	v1 =	vsel vm2, $0x1200, v2;
	v3 =	vsel vm2, $0x3200, v3;
	v6 =	vsel vm2, $0x5200, v4  }
0x19: {  	_ =	strace $0x80000047;
	s7 =	ssub.s32 $0x2, s7;
	s8 =	sor.u32 s9, s8;
	v5 =	vsel vm2, $0x7200, v5;
	v1 =	vsel vm1, $0x1280, v1;
	v2 =	vor.u32 $0x800, v0  }
0x1a: {  	s31 =	sshrl.u32 s7, $0x1;
	s9 =	simm.s32 $0x280;
	s10 =	sshrl.u32 s8, $0x3;
	v3 =	vsel vm1, $0x3280, v3;
	v4 =	vor.u32 $0x1000, v0;
	v6 =	vsel vm1, $0x5280, v6  }
0x1b: {  	s7 =	ssub.s32 s7, s31;
	s6 =	sadd.s32 s6, s8;
	s8 =	simm.s32 $0xC;
	v7 =	vsel vm1, $0x7280, v5;
	v1 =	vsel vm0, $0x1300, v1;
	v3 =	vsel vm0, $0x3300, v3  }
0x1c: {  	s5 =	sadd.s32 s5, s10;
	s7 =	smax.u32 s7, $0x1;
	s10 =	simm.s32 $0x1000;
	v5 =	vsel vm0, $0x5300, v6;
	v6 =	vor.u32 $0x1800, v0;
	v7 =	vsel vm0, $0x7300, v7  }
.LBB2_1:
0x1d: {  	[tilespmem:s3], [sflag:$0xC] =	stream.linear.gather [hbm4b:s5+s3], $0x200, $0x38;
	[tilespmem:$0x1E280] =	vst v63  }
0x1e: {  	_ =	swait.ge [sflag:s8], $0x200  }
0x1f: {  	[sflag:s8] =	ssyncset.done $0x0  }
0x20: {  	[sflag:s8] =	ssyncadd.s32 $0xFFFFFE00  }
0x21: {  	v8 =	vld [tilespmem:$0x0];
	_ =	sdelay $0x4  }
0x22: {  	(v2sf) =	vpush v8, $0x0;
	_ =	sdelay $0xe  }
0x23: {  	s13 =	spop (v2sf)  }
0x24: {  	p0 =	sgt.s32 s13, $0xF417F  }
0x25: {  	s14 =	sshll.u32 @p0 s13, $0x3  }
0x26: {  	s14 =	sand.u32 @p0 $0xFFFFFC00, s14  }
0x27: {  	s15 =	simm.s32 @p0 $0x400;
	s14 =	sadd.s32 @p0 $0xFF85F400, s14  }
0x28: {  	s16 =	simm.s32 @p0 $0x800;
	s13 =	sand.u32 @!p0 $0xFFFFF80, s13;
	s14 =	sshrl.u32 @p0 s14, $0x3  }
0x29: {  	s17 =	simm.s32 @p0 $0x8280;
	s13 =	sadd.s32 @!p0 s0, s13;
	s14 =	sadd.s32 @p0 s4, s14  }
0x2a: {  	[tilespmem:s17], [sflag:$0x1] =	stream.strided.gather @p0 [hbm4b:s14+s15], $0x2000, s16, s15, $0x38;
	[tilespmem:$0x1E280] =	vst v63  }
0x2b: {  	s14 =	simm.s32 @!p0 $0x400;
	s15 =	simm.s32 @!p0 $0x7A1400;
	s16 =	simm.s32 @!p0 $0x8280  }
0x2c: {  	[tilespmem:s16], [sflag:$0x1] =	stream.strided.gather @!p0 [hbm4b:s13+s14], $0x2000, s15, s14, $0x38;
	[tilespmem:$0x1E280] =	vst v63  }
0x2d: {  	v8 =	vld [tilespmem:$0x1];
	_ =	sdelay $0x4  }
0x2e: {  	(v2sf) =	vpush v8, $0x0;
	_ =	sdelay $0xe  }
0x2f: {  	s13 =	spop (v2sf)  }
0x30: {  	p0 =	sgt.s32 s13, $0xF417F  }
0x31: {  	s14 =	sshll.u32 @p0 s13, $0x3  }
0x32: {  	s14 =	sand.u32 @p0 $0xFFFFFC00, s14  }
0x33: {  	s15 =	simm.s32 @p0 $0x400;
	s14 =	sadd.s32 @p0 $0xFF85F400, s14  }
0x34: {  	s16 =	simm.s32 @p0 $0x800;
	s13 =	sand.u32 @!p0 $0xFFFFF80, s13;
	s14 =	sshrl.u32 @p0 s14, $0x3  }
0x35: {  	s17 =	simm.s32 @p0 $0xA280;
	s13 =	sadd.s32 @!p0 s0, s13;
	s14 =	sadd.s32 @p0 s4, s14  }
0x36: {  	[tilespmem:s17], [sflag:$0x2] =	stream.strided.gather @p0 [hbm4b:s14+s15], $0x2000, s16, s15, $0x38;
	[tilespmem:$0x1E280] =	vst v63  }
0x37: {  	s14 =	simm.s32 @!p0 $0x400;
	s15 =	simm.s32 @!p0 $0x7A1400;
	s16 =	simm.s32 @!p0 $0xA280  }
0x38: {  	[tilespmem:s16], [sflag:$0x2] =	stream.strided.gather @!p0 [hbm4b:s13+s14], $0x2000, s15, s14, $0x38;
	[tilespmem:$0x1E280] =	vst v63  }
0x39: {  	v8 =	vld [tilespmem:$0x2];
	_ =	sdelay $0x4  }
0x3a: {  	(v2sf) =	vpush v8, $0x0;
	_ =	sdelay $0xe  }
0x3b: {  	s13 =	spop (v2sf)  }
0x3c: {  	p0 =	sgt.s32 s13, $0xF417F  }
0x3d: {  	s14 =	sshll.u32 @p0 s13, $0x3  }
0x3e: {  	s14 =	sand.u32 @p0 $0xFFFFFC00, s14  }
0x3f: {  	s15 =	simm.s32 @p0 $0x400;
	s14 =	sadd.s32 @p0 $0xFF85F400, s14  }
0x40: {  	s16 =	simm.s32 @p0 $0x800;
	s13 =	sand.u32 @!p0 $0xFFFFF80, s13;
	s14 =	sshrl.u32 @p0 s14, $0x3  }
0x41: {  	s17 =	simm.s32 @p0 $0xC280;
	s13 =	sadd.s32 @!p0 s0, s13;
	s14 =	sadd.s32 @p0 s4, s14  }
0x42: {  	[tilespmem:s17], [sflag:$0x3] =	stream.strided.gather @p0 [hbm4b:s14+s15], $0x2000, s16, s15, $0x38;
	[tilespmem:$0x1E280] =	vst v63  }
0x43: {  	s14 =	simm.s32 @!p0 $0x400;
	s15 =	simm.s32 @!p0 $0x7A1400;
	s16 =	simm.s32 @!p0 $0xC280  }
0x44: {  	[tilespmem:s16], [sflag:$0x3] =	stream.strided.gather @!p0 [hbm4b:s13+s14], $0x2000, s15, s14, $0x38;
	[tilespmem:$0x1E280] =	vst v63  }
0x45: {  	v8 =	vld [tilespmem:$0x3];
	_ =	sdelay $0x4  }
0x46: {  	(v2sf) =	vpush v8, $0x0;
	_ =	sdelay $0xe  }
0x47: {  	s13 =	spop (v2sf)  }
0x48: {  	p0 =	sgt.s32 s13, $0xF417F  }
0x49: {  	s14 =	sshll.u32 @p0 s13, $0x3  }
0x4a: {  	s14 =	sand.u32 @p0 $0xFFFFFC00, s14  }
0x4b: {  	s15 =	simm.s32 @p0 $0x400;
	s14 =	sadd.s32 @p0 $0xFF85F400, s14  }
0x4c: {  	s16 =	simm.s32 @p0 $0x800;
	s13 =	sand.u32 @!p0 $0xFFFFF80, s13;
	s14 =	sshrl.u32 @p0 s14, $0x3  }
0x4d: {  	s17 =	simm.s32 @p0 $0xE280;
	s13 =	sadd.s32 @!p0 s0, s13;
	s14 =	sadd.s32 @p0 s4, s14  }
0x4e: {  	[tilespmem:s17], [sflag:$0x4] =	stream.strided.gather @p0 [hbm4b:s14+s15], $0x2000, s16, s15, $0x38;
	[tilespmem:$0x1E280] =	vst v63  }
0x4f: {  	s14 =	simm.s32 @!p0 $0x400;
	s15 =	simm.s32 @!p0 $0x7A1400;
	s16 =	simm.s32 @!p0 $0xE280  }
0x50: {  	[tilespmem:s16], [sflag:$0x4] =	stream.strided.gather @!p0 [hbm4b:s13+s14], $0x2000, s15, s14, $0x38;
	[tilespmem:$0x1E280] =	vst v63  }
0x51: {  	v8 =	vld [tilespmem:$0x4];
	_ =	sdelay $0x4  }
0x52: {  	(v2sf) =	vpush v8, $0x0;
	_ =	sdelay $0xe  }
0x53: {  	s13 =	spop (v2sf)  }
0x54: {  	p0 =	sgt.s32 s13, $0xF417F  }
0x55: {  	s14 =	sshll.u32 @p0 s13, $0x3  }
0x56: {  	s14 =	sand.u32 @p0 $0xFFFFFC00, s14  }
0x57: {  	s15 =	simm.s32 @p0 $0x400;
	s14 =	sadd.s32 @p0 $0xFF85F400, s14  }
0x58: {  	s16 =	simm.s32 @p0 $0x800;
	s13 =	sand.u32 @!p0 $0xFFFFF80, s13;
	s14 =	sshrl.u32 @p0 s14, $0x3  }
0x59: {  	s17 =	simm.s32 @p0 $0x10280;
	s13 =	sadd.s32 @!p0 s0, s13;
	s14 =	sadd.s32 @p0 s4, s14  }
0x5a: {  	[tilespmem:s17], [sflag:$0x5] =	stream.strided.gather @p0 [hbm4b:s14+s15], $0x2000, s16, s15, $0x38;
	[tilespmem:$0x1E280] =	vst v63  }
0x5b: {  	s14 =	simm.s32 @!p0 $0x400;
	s15 =	simm.s32 @!p0 $0x7A1400;
	s16 =	simm.s32 @!p0 $0x10280  }
0x5c: {  	[tilespmem:s16], [sflag:$0x5] =	stream.strided.gather @!p0 [hbm4b:s13+s14], $0x2000, s15, s14, $0x38;
	[tilespmem:$0x1E280] =	vst v63  }
0x5d: {  	v8 =	vld [tilespmem:$0x5];
	_ =	sdelay $0x4  }
0x5e: {  	(v2sf) =	vpush v8, $0x0;
	_ =	sdelay $0xe  }
0x5f: {  	s13 =	spop (v2sf)  }
0x60: {  	p0 =	sgt.s32 s13, $0xF417F  }
0x61: {  	s14 =	sshll.u32 @p0 s13, $0x3  }
0x62: {  	s14 =	sand.u32 @p0 $0xFFFFFC00, s14  }
0x63: {  	s15 =	simm.s32 @p0 $0x400;
	s14 =	sadd.s32 @p0 $0xFF85F400, s14  }
0x64: {  	s16 =	simm.s32 @p0 $0x800;
	s13 =	sand.u32 @!p0 $0xFFFFF80, s13;
	s14 =	sshrl.u32 @p0 s14, $0x3  }
0x65: {  	s17 =	simm.s32 @p0 $0x12280;
	s13 =	sadd.s32 @!p0 s0, s13;
	s14 =	sadd.s32 @p0 s4, s14  }
0x66: {  	[tilespmem:s17], [sflag:$0x6] =	stream.strided.gather @p0 [hbm4b:s14+s15], $0x2000, s16, s15, $0x38;
	[tilespmem:$0x1E280] =	vst v63  }
0x67: {  	s14 =	simm.s32 @!p0 $0x400;
	s15 =	simm.s32 @!p0 $0x7A1400;
	s16 =	simm.s32 @!p0 $0x12280  }
0x68: {  	[tilespmem:s16], [sflag:$0x6] =	stream.strided.gather @!p0 [hbm4b:s13+s14], $0x2000, s15, s14, $0x38;
	[tilespmem:$0x1E280] =	vst v63  }
0x69: {  	v8 =	vld [tilespmem:$0x6];
	_ =	sdelay $0x4  }
0x6a: {  	(v2sf) =	vpush v8, $0x0;
	_ =	sdelay $0xe  }
0x6b: {  	s13 =	spop (v2sf)  }
0x6c: {  	p0 =	sgt.s32 s13, $0xF417F  }
0x6d: {  	s14 =	sshll.u32 @p0 s13, $0x3  }
0x6e: {  	s14 =	sand.u32 @p0 $0xFFFFFC00, s14  }
0x6f: {  	s15 =	simm.s32 @p0 $0x400;
	s14 =	sadd.s32 @p0 $0xFF85F400, s14  }
0x70: {  	s16 =	simm.s32 @p0 $0x800;
	s13 =	sand.u32 @!p0 $0xFFFFF80, s13;
	s14 =	sshrl.u32 @p0 s14, $0x3  }
0x71: {  	s17 =	simm.s32 @p0 $0x14280;
	s13 =	sadd.s32 @!p0 s0, s13;
	s14 =	sadd.s32 @p0 s4, s14  }
0x72: {  	[tilespmem:s17], [sflag:$0x7] =	stream.strided.gather @p0 [hbm4b:s14+s15], $0x2000, s16, s15, $0x38;
	[tilespmem:$0x1E280] =	vst v63  }
0x73: {  	s14 =	simm.s32 @!p0 $0x400;
	s15 =	simm.s32 @!p0 $0x7A1400;
	s16 =	simm.s32 @!p0 $0x14280  }
0x74: {  	[tilespmem:s16], [sflag:$0x7] =	stream.strided.gather @!p0 [hbm4b:s13+s14], $0x2000, s15, s14, $0x38;
	[tilespmem:$0x1E280] =	vst v63  }
0x75: {  	v8 =	vld [tilespmem:$0x7];
	_ =	sdelay $0x4  }
0x76: {  	(v2sf) =	vpush v8, $0x0;
	_ =	sdelay $0xe  }
0x77: {  	s13 =	spop (v2sf)  }
0x78: {  	p0 =	sgt.s32 s13, $0xF417F  }
0x79: {  	s14 =	sshll.u32 @p0 s13, $0x3  }
0x7a: {  	s14 =	sand.u32 @p0 $0xFFFFFC00, s14  }
0x7b: {  	s15 =	simm.s32 @p0 $0x400;
	s14 =	sadd.s32 @p0 $0xFF85F400, s14  }
0x7c: {  	s16 =	simm.s32 @p0 $0x800;
	s13 =	sand.u32 @!p0 $0xFFFFF80, s13;
	s14 =	sshrl.u32 @p0 s14, $0x3  }
0x7d: {  	s17 =	simm.s32 @p0 $0x16280;
	s13 =	sadd.s32 @!p0 s0, s13;
	s14 =	sadd.s32 @p0 s4, s14  }
0x7e: {  	[tilespmem:s17], [sflag:$0x8] =	stream.strided.gather @p0 [hbm4b:s14+s15], $0x2000, s16, s15, $0x38;
	[tilespmem:$0x1E280] =	vst v63  }
0x7f: {  	s14 =	simm.s32 @!p0 $0x400;
	s15 =	simm.s32 @!p0 $0x7A1400;
	s16 =	simm.s32 @!p0 $0x16280  }
0x80: {  	[tilespmem:s16], [sflag:$0x8] =	stream.strided.gather @!p0 [hbm4b:s13+s14], $0x2000, s15, s14, $0x38;
	[tilespmem:$0x1E280] =	vst v63  }
0x81: {  	v8 =	vld [tilespmem:$0x8];
	_ =	sdelay $0x4  }
0x82: {  	(v2sf) =	vpush v8, $0x0;
	_ =	sdelay $0xe  }
0x83: {  	s13 =	spop (v2sf)  }
0x84: {  	p0 =	sgt.s32 s13, $0xF417F  }
0x85: {  	s14 =	sshll.u32 @p0 s13, $0x3  }
0x86: {  	s14 =	sand.u32 @p0 $0xFFFFFC00, s14  }
0x87: {  	s15 =	simm.s32 @p0 $0x400;
	s14 =	sadd.s32 @p0 $0xFF85F400, s14  }
0x88: {  	s16 =	simm.s32 @p0 $0x800;
	s13 =	sand.u32 @!p0 $0xFFFFF80, s13;
	s14 =	sshrl.u32 @p0 s14, $0x3  }
0x89: {  	s17 =	simm.s32 @p0 $0x18280;
	s13 =	sadd.s32 @!p0 s0, s13;
	s14 =	sadd.s32 @p0 s4, s14  }
0x8a: {  	[tilespmem:s17], [sflag:$0x9] =	stream.strided.gather @p0 [hbm4b:s14+s15], $0x2000, s16, s15, $0x38;
	[tilespmem:$0x1E280] =	vst v63  }
0x8b: {  	s14 =	simm.s32 @!p0 $0x400;
	s15 =	simm.s32 @!p0 $0x7A1400;
	s16 =	simm.s32 @!p0 $0x18280  }
0x8c: {  	[tilespmem:s16], [sflag:$0x9] =	stream.strided.gather @!p0 [hbm4b:s13+s14], $0x2000, s15, s14, $0x38;
	[tilespmem:$0x1E280] =	vst v63  }
0x8d: {  	v8 =	vld [tilespmem:$0x9];
	_ =	sdelay $0x4  }
0x8e: {  	(v2sf) =	vpush v8, $0x0;
	_ =	sdelay $0xe  }
0x8f: {  	s13 =	spop (v2sf)  }
0x90: {  	p0 =	sgt.s32 s13, $0xF417F  }
0x91: {  	s14 =	sshll.u32 @p0 s13, $0x3  }
0x92: {  	s14 =	sand.u32 @p0 $0xFFFFFC00, s14  }
0x93: {  	s15 =	simm.s32 @p0 $0x400;
	s14 =	sadd.s32 @p0 $0xFF85F400, s14  }
0x94: {  	s16 =	simm.s32 @p0 $0x800;
	s13 =	sand.u32 @!p0 $0xFFFFF80, s13;
	s14 =	sshrl.u32 @p0 s14, $0x3  }
0x95: {  	s17 =	simm.s32 @p0 $0x1A280;
	s13 =	sadd.s32 @!p0 s0, s13;
	s14 =	sadd.s32 @p0 s4, s14  }
0x96: {  	[tilespmem:s17], [sflag:$0xA] =	stream.strided.gather @p0 [hbm4b:s14+s15], $0x2000, s16, s15, $0x38;
	[tilespmem:$0x1E280] =	vst v63  }
0x97: {  	s14 =	simm.s32 @!p0 $0x400;
	s15 =	simm.s32 @!p0 $0x7A1400;
	s16 =	simm.s32 @!p0 $0x1A280  }
0x98: {  	[tilespmem:s16], [sflag:$0xA] =	stream.strided.gather @!p0 [hbm4b:s13+s14], $0x2000, s15, s14, $0x38;
	[tilespmem:$0x1E280] =	vst v63  }
0x99: {  	v8 =	vld [tilespmem:$0xA];
	_ =	sdelay $0x4  }
0x9a: {  	(v2sf) =	vpush v8, $0x0;
	_ =	sdelay $0xe  }
0x9b: {  	s13 =	spop (v2sf)  }
0x9c: {  	p0 =	sgt.s32 s13, $0xF417F  }
0x9d: {  	s14 =	sshll.u32 @p0 s13, $0x3  }
0x9e: {  	s14 =	sand.u32 @p0 $0xFFFFFC00, s14  }
0x9f: {  	s26 =	smul.u32 $0xBA2F, s3;
	s14 =	sadd.s32 @p0 $0xFF85F400, s14  }
0xa0: {  	s15 =	simm.s32 @p0 $0x400;
	s16 =	simm.s32 @p0 $0x800;
	s14 =	sshrl.u32 @p0 s14, $0x3  }
0xa1: {  	s17 =	simm.s32 @p0 $0x1C280;
	s13 =	sand.u32 @!p0 $0xFFFFF80, s13;
	s14 =	sadd.s32 @p0 s4, s14  }
0xa2: {  	[tilespmem:s17], [sflag:$0xB] =	stream.strided.gather @p0 [hbm4b:s14+s15], $0x2000, s16, s15, $0x38;
	[tilespmem:$0x1E280] =	vst v63  }
0xa3: {  	s13 =	sadd.s32 @!p0 s0, s13;
	s15 =	simm.s32 @!p0 $0x400;
	s14 =	sshrl.u32 s26, $0x13  }
0xa4: {  	s16 =	simm.s32 @!p0 $0x7A1400;
	s17 =	simm.s32 @!p0 $0x1C280;
	s14 =	smul.u32 $0xB, s14  }
0xa5: {  	[tilespmem:s17], [sflag:$0xB] =	stream.strided.gather @!p0 [hbm4b:s13+s15], $0x2000, s16, s15, $0x38;
	[tilespmem:$0x1E280] =	vst v63  }
0xa6: {  	s28 =	ssub.s32 $0x0, s14  }
0xa7: {  	s14 =	sand.u32 $0xFFFF, s28  }
0xa8: {  	s13 =	sadd.s32 $0x1, s14  }
0xa9: {  	_ =	swait.ge [sflag:s13], $0x2000  }
0xaa: {  	[sflag:s13] =	ssyncset.done $0x0  }
0xab: {  	s15 =	simm.s32 $0xB;
	[sflag:s13] =	ssyncadd.s32 $0xFFFFE000  }
0xac: {  	v8 =	vld [tilespmem:s15+$0xFFFFFFF5];
	_ =	sdelay $0x4  }
0xad: {  	(v2sf) =	vpush v8, $0x0;
	_ =	sdelay $0xe  }
0xae: {  	s29 =	spop (v2sf)  }
0xaf: {  	s16 =	sand.u32 $0x7F, s29  }
0xb0: {  	v8 =	vor.u32 s16, v0  }
0xb1: {  	v9 =	vmov s3  }
0xb2: {  	v10 =	vshll.u32 v9, $0x3  }
0xb3: {  	v9 =	vand.u32 $0x7F, v9;
	v10 =	vand.u32 $0xC00, v10  }
0xb4: {  	v9 =	vor.u32 v9, v10;
	s30 =	sshll.u32 s14, $0xD  }
0xb5: {  	v10 =	vor.u32 v1, v9;
	v8 =	vld.idx.msk [tilespmem:v8+s30+$0x8280], $0xffff  }
0xb6: {  	v11 =	vor.u32 s16, v2;
	_ =	sdelay $0x3  }
0xb7: {  	[tilespmem:v10+s9+$0x0] =	vst.idx.msk $0xffff, v8  }
0xb8: {  	v60 =	vor.u32 v3, v9;
	v8 =	vld.idx.msk [tilespmem:v11+s30+$0x8280], $0xffff  }
0xb9: {  	v61 =	vor.u32 s16, v4;
	_ =	sdelay $0x3  }
0xba: {  	[tilespmem:v60+s9+$0x0] =	vst.idx.msk $0xffff, v8  }
0xbb: {  	v62 =	vor.u32 v5, v9;
	v8 =	vld.idx.msk [tilespmem:v61+s30+$0x8280], $0xffff  }
0xbc: {  	v63 =	vor.u32 s16, v6;
	_ =	sdelay $0x3  }
0xbd: {  	[tilespmem:v62+s9+$0x0] =	vst.idx.msk $0xffff, v8  }
0xbe: {  	v9 =	vor.u32 v7, v9;
	v8 =	vld.idx.msk [tilespmem:v63+s30+$0x8280], $0xffff;
	_ =	sdelay $0x4  }
0xbf: {  	p0 =	por $0x0, $0x0;
	[tilespmem:v9+s9+$0x0] =	vst.idx.msk $0xffff, v8  }
0xc0: {  	v8 =	vld @!p0 [tilespmem:s15+$0x0];
	_ =	sdelay $0x4  }
0xc1: {  	(v2sf) =	vpush @!p0 v8, $0x0;
	_ =	sdelay $0xb  }
0xc2: {  	s14 =	simm.s32 $0x1  }
0xc3: {  	s18 =	smul.u32 $0xBA2F, s14;
	_ =	sdelay $0x1  }
0xc4: {  	s31 =	sshrl.u32 s18, $0x13;
	s22 =	spop @!p0 (v2sf)  }
0xc5: {  	s20 =	smul.u32 $0xB, s31;
	p1 =	sgt.s32 @!p0 s22, $0xF417F  }
0xc6: {  	p2 =	por !p1, p0  }
0xc7: {  	s19 =	sadd.s32 $0x8280, s30;
	s23 =	ssub.s32 $0x1, s20;
	s18 =	sshll.u32 @!p2 s22, $0x3  }
0xc8: {  	s16 =	simm.s32 $0x2;
	s15 =	simm.s32 $0xC;
	s18 =	sand.u32 @!p2 $0xFFFFFC00, s18  }
0xc9: {  	p1 =	por p1, p0;
	s17 =	simm.s32 @!p2 $0x800;
	s18 =	sadd.s32 @!p2 $0xFF85F400, s18  }
0xca: {  	s21 =	simm.s32 @!p2 $0x400;
	s20 =	simm.s32 @!p1 $0x400;
	s24 =	sshrl.u32 @!p2 s18, $0x3  }
0xcb: {  	s22 =	sand.u32 @!p1 $0xFFFFF80, s22;
	s18 =	sand.u32 $0xFFFF, s23;
	s23 =	sadd.s32 @!p2 s4, s24  }
.LBB2_2:
0xcc: {  	[tilespmem:s19], [sflag:s13] =	stream.strided.gather @!p2 [hbm4b:s23+s21], $0x2000, s17, s21, $0x38;
	[tilespmem:$0x1E280] =	vst v63  }
0xcd: {  	s17 =	smov.u32 s16  }
0xce: {  	s21 =	sadd.s32 $0x1, s18;
	s22 =	sadd.s32 @!p1 s0, s22;
	s23 =	simm.s32 @!p1 $0x7A1400  }
0xcf: {  	[tilespmem:s19], [sflag:s13] =	stream.strided.gather @!p1 [hbm4b:s22+s20], $0x2000, s23, s20, $0x38;
	[tilespmem:$0x1E280] =	vst v63  }
0xd0: {  	s16 =	sadd.s32 $0x1, s16;
	s13 =	smov.u32 s21;
	_ =	swait.ge [sflag:s21], $0x2000  }
0xd1: {  	p0 =	sne.s32 s16, $0x200;
	[sflag:s13] =	ssyncset.done $0x0  }
0xd2: {  	[sflag:s13] =	ssyncadd.s32 $0xFFFFE000  }
0xd3: {  	v8 =	vld [tilespmem:s15+$0xFFFFFFF5];
	_ =	sdelay $0x4  }
0xd4: {  	(v2sf) =	vpush v8, $0x0;
	_ =	sdelay $0xe  }
0xd5: {  	s19 =	spop (v2sf)  }
0xd6: {  	s19 =	sand.u32 $0x7F, s19  }
0xd7: {  	v8 =	vor.u32 s19, v0;
	_ =	sdelay $0x1  }
0xd8: {  	v9 =	vmov s14  }
0xd9: {  	v10 =	vshll.u32 v9, $0x3  }
0xda: {  	s18 =	sshll.u32 s18, $0xD;
	v9 =	vand.u32 $0x7F, v9;
	v10 =	vand.u32 $0xC00, v10  }
0xdb: {  	v9 =	vor.u32 v9, v10;
	v8 =	vld.idx.msk [tilespmem:v8+s18+$0x8280], $0xffff  }
0xdc: {  	v10 =	vor.u32 v1, v9  }
0xdd: {  	v11 =	vor.u32 s19, v2;
	_ =	sdelay $0x3  }
0xde: {  	[tilespmem:v10+s9+$0x0] =	vst.idx.msk $0xffff, v8  }
0xdf: {  	v8 =	vld.idx.msk [tilespmem:v11+s18+$0x8280], $0xffff  }
0xe0: {  	v10 =	vor.u32 v3, v9  }
0xe1: {  	v11 =	vor.u32 s19, v4;
	_ =	sdelay $0x3  }
0xe2: {  	[tilespmem:v10+s9+$0x0] =	vst.idx.msk $0xffff, v8  }
0xe3: {  	v8 =	vld.idx.msk [tilespmem:v11+s18+$0x8280], $0xffff  }
0xe4: {  	v10 =	vor.u32 v5, v9  }
0xe5: {  	v11 =	vor.u32 s19, v6;
	_ =	sdelay $0x3  }
0xe6: {  	[tilespmem:v10+s9+$0x0] =	vst.idx.msk $0xffff, v8  }
0xe7: {  	v8 =	vld.idx.msk [tilespmem:v11+s18+$0x8280], $0xffff  }
0xe8: {  	v9 =	vor.u32 v7, v9;
	_ =	sdelay $0x4  }
0xe9: {  	p1 =	sgt.u32 s14, $0x1F4;
	s14 =	smov.u32 s17;
	[tilespmem:v9+s9+$0x0] =	vst.idx.msk $0xffff, v8  }
0xea: {  	v8 =	vld @!p1 [tilespmem:s15+$0x0];
	_ =	sdelay $0x4  }
0xeb: {  	(v2sf) =	vpush @!p1 v8, $0x0;
	_ =	sdelay $0xe  }
0xec: {  	s22 =	spop @!p1 (v2sf)  }
0xed: {  	s17 =	smul.u32 $0xBA2F, s14;
	p3 =	sgt.s32 @!p1 s22, $0xF417F  }
0xee: {  	s19 =	sadd.s32 $0x8280, s18;
	s15 =	sadd.s32 $0x1, s15;
	p2 =	por !p3, p1  }
.Ltmp0:
0xef: {  	s17 =	sshrl.u32 s17, $0x13;
	s18 =	sshll.u32 @!p2 s22, $0x3;
	(pc) =	sbr.rel @p0 .LBB2_2-.Ltmp0, $4  }
0xf0: {  	s20 =	smul.u32 $0xB, s17;
	s17 =	simm.s32 @!p2 $0x800;
	s18 =	sand.u32 @!p2 $0xFFFFFC00, s18  }
0xf1: {  	p1 =	por p3, p1;
	s21 =	simm.s32 @!p2 $0x400;
	s18 =	sadd.s32 @!p2 $0xFF85F400, s18  }
0xf2: {  	s23 =	ssub.s32 s14, s20;
	s20 =	simm.s32 @!p1 $0x400;
	s24 =	sshrl.u32 @!p2 s18, $0x3  }
0xf3: {  	s22 =	sand.u32 @!p1 $0xFFFFF80, s22;
	s18 =	sand.u32 $0xFFFF, s23;
	s23 =	sadd.s32 @!p2 s4, s24  }
0xf4: {  	[tilespmem:s19], [sflag:s13] =	stream.strided.gather @!p2 [hbm4b:s23+s21], $0x2000, s17, s21, $0x38;
	[tilespmem:$0x1E280] =	vst v63  }
0xf5: {  	s16 =	sadd.s32 $0x1, s18;
	s17 =	sadd.s32 @!p1 s0, s22;
	s21 =	simm.s32 @!p1 $0x7A1400  }
0xf6: {  	[tilespmem:s19], [sflag:s13] =	stream.strided.gather @!p1 [hbm4b:s17+s20], $0x2000, s21, s20, $0x38;
	[tilespmem:$0x1E280] =	vst v63  }
0xf7: {  	_ =	swait.ge [sflag:s16], $0x2000  }
0xf8: {  	[sflag:s16] =	ssyncset.done $0x0  }
0xf9: {  	[sflag:s16] =	ssyncadd.s32 $0xFFFFE000  }
0xfa: {  	v8 =	vld [tilespmem:s15+$0xFFFFFFF5];
	_ =	sdelay $0x4  }
0xfb: {  	(v2sf) =	vpush v8, $0x0;
	_ =	sdelay $0xe  }
0xfc: {  	s30 =	spop (v2sf)  }
0xfd: {  	s13 =	sand.u32 $0x7F, s30  }
0xfe: {  	v8 =	vor.u32 s13, v0  }
0xff: {  	v9 =	vmov s14  }
0x100: {  	v10 =	vshll.u32 v9, $0x3  }
0x101: {  	v9 =	vand.u32 $0x7F, v9;
	v10 =	vand.u32 $0xC00, v10  }
0x102: {  	s31 =	sshll.u32 s18, $0xD;
	v9 =	vor.u32 v9, v10  }
0x103: {  	v10 =	vor.u32 v1, v9;
	v8 =	vld.idx.msk [tilespmem:v8+s31+$0x8280], $0xffff  }
0x104: {  	v11 =	vor.u32 s13, v2;
	_ =	sdelay $0x3  }
0x105: {  	[tilespmem:v10+s9+$0x0] =	vst.idx.msk $0xffff, v8  }
0x106: {  	v60 =	vor.u32 v3, v9;
	v8 =	vld.idx.msk [tilespmem:v11+s31+$0x8280], $0xffff  }
0x107: {  	v61 =	vor.u32 s13, v4;
	_ =	sdelay $0x3  }
0x108: {  	[tilespmem:v60+s9+$0x0] =	vst.idx.msk $0xffff, v8  }
0x109: {  	v62 =	vor.u32 v5, v9;
	v8 =	vld.idx.msk [tilespmem:v61+s31+$0x8280], $0xffff  }
0x10a: {  	v63 =	vor.u32 s13, v6;
	_ =	sdelay $0x3  }
0x10b: {  	[tilespmem:v62+s9+$0x0] =	vst.idx.msk $0xffff, v8  }
0x10c: {  	v9 =	vor.u32 v7, v9;
	v8 =	vld.idx.msk [tilespmem:v63+s31+$0x8280], $0xffff;
	_ =	sdelay $0x4  }
0x10d: {  	p0 =	sgt.u32 s14, $0x1F4;
	[tilespmem:v9+s9+$0x0] =	vst.idx.msk $0xffff, v8  }
0x10e: {  	v8 =	vld @!p0 [tilespmem:s15+$0x0];
	_ =	sdelay $0x4  }
0x10f: {  	(v2sf) =	vpush @!p0 v8, $0x0;
	_ =	sdelay $0xe  }
0x110: {  	s13 =	spop @!p0 (v2sf)  }
0x111: {  	p1 =	sgt.s32 @!p0 s13, $0xF417F  }
0x112: {  	p2 =	por !p1, p0  }
0x113: {  	s14 =	sshll.u32 @!p2 s13, $0x3  }
0x114: {  	s14 =	sand.u32 @!p2 $0xFFFFFC00, s14  }
0x115: {  	s12 =	sadd.s32 $0x1, s12;
	s15 =	sadd.s32 $0x8280, s31;
	s14 =	sadd.s32 @!p2 $0xFF85F400, s14  }
0x116: {  	p0 =	por p1, p0;
	s17 =	simm.s32 @!p2 $0x800;
	s14 =	sshrl.u32 @!p2 s14, $0x3  }
0x117: {  	s18 =	simm.s32 @!p2 $0x400;
	s13 =	sand.u32 @!p0 $0xFFFFF80, s13;
	s14 =	sadd.s32 @!p2 s4, s14  }
0x118: {  	[tilespmem:s15], [sflag:s16] =	stream.strided.gather @!p2 [hbm4b:s14+s18], $0x2000, s17, s18, $0x38;
	[tilespmem:$0x1E280] =	vst v63  }
0x119: {  	s13 =	sadd.s32 @!p0 s0, s13;
	s14 =	simm.s32 @!p0 $0x400;
	s17 =	simm.s32 @!p0 $0x7A1400  }
0x11a: {  	[tilespmem:s15], [sflag:s16] =	stream.strided.gather @!p0 [hbm4b:s13+s14], $0x2000, s17, s14, $0x38;
	[tilespmem:$0x1E280] =	vst v63  }
0x11b: {  	p0 =	sne.s32 s12, s7  }
.Ltmp1:
0x11c: {  	_ = 	snop;
	(pc) =	sbr.rel @p0 .LBB2_1-.Ltmp1, $4  }
0x11d: {  	[hbm4b:s6+s10] =	stream.strided.scatter [tilespmem:s9], [sflag:$0xC], $0x8000, s11, s10, $0x38;
	[tilespmem:$0x1E280] =	vst v63  }
0x11e: {  	_ =	swait.ge [sflag:s8], $0x8000  }
0x11f: {  	[sflag:s8] =	ssyncset.done $0x0  }
0x120: {  	[sflag:s8] =	ssyncadd.s32 $0xFFFF8000  }
0x121: {  	_ =	sfence.sel $0x180000  }
0x122: {  	[bflag:$0x0] =	sbarrier.arrive $0xFFFF  }
0x123: {  	p0 =	sne.s32 s2, $0x0;
	_ =	strace $0x90000047  }
0x124: {  	s0 =	sadd.s32 @!p0 $0x100000, s1;
	[bflag:$0x2] =	sbarrier.arrive $0xFFFF  }
0x125: {  	[sflag:s0] =	ssyncadd.tile.s32 @!p0 $0x1;
	_ =	shalt  }
.Lfunc_end2:
_tile_overlayer_lowered:
.L_overlay_start_2:
0x126: {  	(tag) =	ssettag $0x2  }
0x127: {  	s0 =	rddreg [dreg:$0x0];
	s2 =	stileid.u32  }
0x128: {  	s1 =	rddreg [dreg:$0x1];
	p0 =	sne.s32 s2, $0x0  }
0x129: {  	s3 =	rddreg [dreg:$0x2];
	[bflag:$0x3] =	sbarrier.arrive $0xFFFF;
	s2 =	simm.s32 @!p0 $0x1C0C  }
0x12a: {  	[timem:s3], [sflag:s2] =	dma.local @!p0 [hbm:s0], s1  }
0x12b: {  	s0 =	simm.s32 @!p0 $0xC  }
0x12c: {  	_ =	swait.ge @!p0 [sflag:s0], s1  }
0x12d: {  	s1 =	ssub.s32 @!p0 $0x0, s1;
	[sflag:s0] =	ssyncset.done @!p0 $0x0  }
0x12e: {  	[sflag:s0] =	ssyncadd.s32 @!p0 s1  }
0x12f: {  	[bflag:$0x3] =	sbarrier.arrive $0xFFFF  }
0x130: {  	_ =	shalt  }

</sc_bundles>
